<compile_context>
chip_gen: v7x
topology: tpu7x:2x2x1
jax: 0.10.2.dev20260603
libtpu: 0.0.44.dev20260713+nightly
codegen_flags: <defaults>
</compile_context>

<pallas_src>
import functools

import jax
import jax.numpy as jnp
from jax import lax
from jax.experimental import pallas as pl
from jax.experimental.pallas import tpu as pltpu
from jax.experimental.pallas import tpu_sc as plsc

N = 10000
E = 320000
F = 128
NCLASS = 40

NC = 2
NS = 16
NW = NC * NS
CH = 128
NPAD = 10240
RPT = NPAD // NS
NCHUNKP = 2560
CPW = NCHUNKP // NW
CPT = NCHUNKP // NS
NB = 40
EPT = E // NS

_MESH = plsc.VectorSubcoreMesh(core_axis_name="c", subcore_axis_name="s")


def _fill_vmem(ref, nrows, width, value):
    vv = jnp.full((16,), value, jnp.float32)
    def body(r, _):
        for j in range(width // 16):
            ref[r, pl.ds(j * 16, 16)] = vv
        return ()
    lax.fori_loop(0, nrows, body, ())


@functools.partial(
    pl.kernel,
    out_type=jax.ShapeDtypeStruct((2, NPAD), jnp.float32),
    mesh=_MESH,
    scratch_types=[
        pltpu.VMEM_SHARED((NPAD,), jnp.float32),
        pltpu.VMEM((EPT,), jnp.int32),
        pltpu.VMEM((EPT,), jnp.float32),
        pltpu.VMEM((RPT,), jnp.float32),
    ],
)
def _sc_degrees(eflat, out, acc, idxb, ones1, zbuf):
    cid = lax.axis_index("c")
    tid = lax.axis_index("s")

    zv = jnp.zeros((16,), jnp.float32)
    def z(r, _):
        for j in range(8):
            zbuf[pl.ds(r * 128 + j * 16, 16)] = zv
        return ()
    lax.fori_loop(0, RPT // 128, z, ())
    pltpu.sync_copy(zbuf, acc.at[pl.ds(tid * RPT, RPT)])

    ov = jnp.ones((16,), jnp.float32)
    def o(r, _):
        for j in range(10):
            ones1[pl.ds(r * 160 + j * 16, 16)] = ov
        return ()
    lax.fori_loop(0, EPT // 160, o, ())

    plsc.subcore_barrier()

    base = cid * E + tid * EPT
    pltpu.sync_copy(eflat.at[pl.ds(base, EPT)], idxb)
    pltpu.sync_copy(ones1, acc.at[idxb], add=True)

    plsc.subcore_barrier()
    pltpu.sync_copy(acc.at[pl.ds(tid * RPT, RPT)],
                    out.at[cid, pl.ds(tid * RPT, RPT)])


def _make_aggregate(width, compact, nb):
    @functools.partial(
        pl.kernel,
        out_type=jax.ShapeDtypeStruct((NC, NPAD, width), jnp.float32),
        mesh=_MESH,
        compiler_params=(pltpu.CompilerParams(use_tc_tiling_on_sc=False)
                         if compact else None),
        scratch_types=[
            pltpu.VMEM_SHARED((NPAD, width), jnp.float32),
            pltpu.VMEM((nb, CH), jnp.int32),
            pltpu.VMEM((nb, CH), jnp.int32),
            pltpu.VMEM((CH, width), jnp.float32),
            pltpu.VMEM((CH, width), jnp.float32),
            pltpu.SemaphoreType.DMA,
            pltpu.SemaphoreType.DMA,
        ],
    )
    def agg(xs, ei2, out, acc, sidx, didx, rows0, rows1, sem0, sem1):
        cid = lax.axis_index("c")
        tid = lax.axis_index("s")
        wid = tid * NC + cid

        _fill_vmem(rows0, CH, width, 0.0)
        for k in range(RPT // CH):
            pltpu.sync_copy(rows0, acc.at[pl.ds(tid * RPT + k * CH, CH)])
        plsc.subcore_barrier()

        base = wid * CPW
        def half(h, _):
            hb = base + h * nb
            pltpu.sync_copy(ei2.at[pl.ds(hb, nb)], sidx)
            pltpu.sync_copy(ei2.at[pl.ds(NCHUNKP + hb, nb)], didx)
            pltpu.async_copy(xs.at[sidx.at[0]], rows0, sem0)
            def body(j2, _):
                c0 = 2 * j2
                pltpu.async_copy(xs.at[sidx.at[c0 + 1]], rows1, sem1)
                pltpu.make_async_copy(xs.at[sidx.at[c0]], rows0, sem0).wait()
                pltpu.sync_copy(rows0, acc.at[didx.at[c0]], add=True)
                @pl.when(j2 < nb // 2 - 1)
                def _():
                    pltpu.async_copy(xs.at[sidx.at[c0 + 2]], rows0, sem0)
                pltpu.make_async_copy(xs.at[sidx.at[c0 + 1]], rows1, sem1).wait()
                pltpu.sync_copy(rows1, acc.at[didx.at[c0 + 1]], add=True)
                return ()
            lax.fori_loop(0, nb // 2, body, ())
            return ()
        lax.fori_loop(0, CPW // nb, half, ())

        plsc.subcore_barrier()
        pltpu.sync_copy(acc.at[pl.ds(tid * RPT, RPT)],
                        out.at[cid, pl.ds(tid * RPT, RPT)])
    return agg


W2AGG = 64
_sc_aggregate = _make_aggregate(F, False, NB)
_sc_aggregate_cls = _make_aggregate(W2AGG, True, CPW)


def _norm_from(deg_ref, which):
    d = deg_ref[which, :N]
    return jnp.where(d > 0.0, lax.rsqrt(jnp.maximum(d, 1.0)), 0.0)


def _tc_prescale_body(x_ref, deg_ref, o_ref):
    o_ref[:N] = x_ref[...] * _norm_from(deg_ref, 0)
    o_ref[N:] = jnp.zeros((NPAD - N, F), jnp.float32)


def _tc_layer1_body(p_ref, deg_ref, w1_ref, b1_ref, w2_ref, wfc_ref, o_ref):
    y = (p_ref[0, :N] + p_ref[1, :N]) * _norm_from(deg_ref, 1)
    h = jnp.dot(y, w1_ref[...], preferred_element_type=jnp.float32) + b1_ref[...]
    h = jnp.maximum(h, 0.0) * _norm_from(deg_ref, 0)
    w2f = jnp.dot(w2_ref[...], wfc_ref[...], preferred_element_type=jnp.float32)
    w2f = jnp.concatenate(
        [w2f, jnp.zeros((F, W2AGG - NCLASS), jnp.float32)], axis=1)
    o_ref[:N] = jnp.dot(h, w2f, preferred_element_type=jnp.float32)
    o_ref[N:] = jnp.zeros((NPAD - N, W2AGG), jnp.float32)


def _tc_final_body(p_ref, deg_ref, b2_ref, wfc_ref, bfc_ref, o_ref):
    y = (p_ref[0, :N, :NCLASS] + p_ref[1, :N, :NCLASS]) * _norm_from(deg_ref, 1)
    c = jnp.dot(b2_ref[...], wfc_ref[...], preferred_element_type=jnp.float32)
    o_ref[...] = y + c + bfc_ref[...]


def kernel(x, edge_index, W1, b1, W2, b2, Wfc, bfc):
    padv = N + jnp.arange(NCHUNKP * CH - E, dtype=jnp.int32) % (NPAD - N)
    ei2 = jnp.concatenate(
        [edge_index[0], padv, edge_index[1], padv]).reshape(2 * NCHUNKP, CH)

    degp = _sc_degrees(edge_index.reshape(-1))
    degc = degp.reshape(2, NPAD, 1)

    xs1 = pl.pallas_call(
        _tc_prescale_body,
        out_shape=jax.ShapeDtypeStruct((NPAD, F), jnp.float32),
    )(x, degc)

    P1 = _sc_aggregate(xs1, ei2)

    z2 = pl.pallas_call(
        _tc_layer1_body,
        out_shape=jax.ShapeDtypeStruct((NPAD, W2AGG), jnp.float32),
    )(P1, degc, W1, b1.reshape(1, F), W2, Wfc)

    P2 = _sc_aggregate_cls(z2, ei2)

    out = pl.pallas_call(
        _tc_final_body,
        out_shape=jax.ShapeDtypeStruct((N, NCLASS), jnp.float32),
    )(P2, degc, b2.reshape(1, F), Wfc, bfc.reshape(1, NCLASS))

    return out

# --- scband reference (transcript-rebuilt; emitter-appended) ---
"""Pipeline reference for scband-gcn-20237885899474 (READ-ONLY COPY).

The authoritative reference and input builder live on the scoring server;
editing this copy changes nothing except your own understanding.
"""

import jax, jax.numpy as jnp
import numpy as np

N = 10000
E = 320000
NFEAT = 128
NHID = 128
NCLASS = 40


def setup_inputs(seed: int = 0) -> dict:
    key = jax.random.key(seed)
    ks = jax.random.split(key, 8)
    x = jax.random.normal(ks[0], (N, NFEAT), dtype=jnp.float32)
    edge_index = jax.random.randint(ks[1], (2, E), 0, N, dtype=jnp.int32)
    # GraphConv weights (DGL-style glorot init approximated by scaled normal)
    W1 = jax.random.normal(ks[2], (NFEAT, NHID), dtype=jnp.float32) * (2.0 / (NFEAT + NHID)) ** 0.5
    b1 = jnp.zeros((NHID,), dtype=jnp.float32)
    W2 = jax.random.normal(ks[3], (NHID, NHID), dtype=jnp.float32) * (2.0 / (NHID + NHID)) ** 0.5
    b2 = jnp.zeros((NHID,), dtype=jnp.float32)
    Wfc = jax.random.normal(ks[4], (NHID, NCLASS), dtype=jnp.float32) * (2.0 / (NHID + NCLASS)) ** 0.5
    bfc = jnp.zeros((NCLASS,), dtype=jnp.float32)
    return {"x": x, "edge_index": edge_index, "W1": W1, "b1": b1, "W2": W2, "b2": b2, "Wfc": Wfc, "bfc": bfc}


def _gcn_conv(x, src, dst, W, b):
    # DGL GraphConv, norm='both': h = D_in^{-1/2} A D_out^{-1/2} x W + b
    deg_out = jnp.bincount(src, length=N).astype(jnp.float32)
    deg_in = jnp.bincount(dst, length=N).astype(jnp.float32)
    norm_src = jnp.where(deg_out > 0, jax.lax.rsqrt(jnp.maximum(deg_out, 1.0)), 0.0)
    norm_dst = jnp.where(deg_in > 0, jax.lax.rsqrt(jnp.maximum(deg_in, 1.0)), 0.0)
    h = x * norm_src[:, None]
    h = h @ W
    m = jnp.take(h, src, axis=0)
    agg = jax.ops.segment_sum(m, dst, num_segments=N)
    agg = agg * norm_dst[:, None]
    return agg + b


def reference(x, edge_index, W1, b1, W2, b2, Wfc, bfc):
    src = edge_index[0]
    dst = edge_index[1]
    # GCN_Body: gc1 -> relu -> dropout(p=0.0, identity) -> gc2
    h = _gcn_conv(x, src, dst, W1, b1)
    h = jax.nn.relu(h)
    h = _gcn_conv(h, src, dst, W2, b2)
    # final fc
    out = h @ Wfc + bfc
    return out

if __name__ == "__main__":
    import jax
    _d = setup_inputs()
    print(jax.jit(kernel)(*tuple(_d.values())))

</pallas_src>

<mosaic_0001>
#map = affine_map<(d0, d1) -> (0)>
#map1 = affine_map<(d0, d1) -> (0, 0)>
module attributes {stable_mosaic.version = 14 : i64} {
  func.func @_sc_degrees(%arg0: i32, %arg1: i32, %arg2: memref<640000xi32, #tpu.memory_space<hbm>>, %arg3: memref<2x10240xf32, #tpu.memory_space<hbm>>, %arg4: memref<10240xf32, #tpu.memory_space<vmem_shared>>, %arg5: memref<20000xi32, #tpu.memory_space<vmem>>, %arg6: memref<20000xf32, #tpu.memory_space<vmem>>, %arg7: memref<640xf32, #tpu.memory_space<vmem>>) attributes {dimension_semantics = [#tpu.dimension_semantics<core_parallel>, #tpu.dimension_semantics<subcore_parallel>], iteration_bounds = array<i64: 2, 16>, scalar_prefetch = 0 : i64, scratch_operands = 4 : i64, tpu.core_type = #tpu.core_type<sc_vector_subcore>, window_params = [{transform_indices = #map}, {transform_indices = #map1}]} {
    %broadcast_in_dim3A = arith.constant 0.000000e+00 : f32
    %broadcast_in_dim3A_0 = vector.broadcast %broadcast_in_dim3A : f32 to vector<16xf32>
    %scan3A = arith.constant 0 : i32
    %scan3A_1 = arith.constant 5 : i32
    %scan3A_2 = arith.addi %scan3A, %scan3A_1 : i32
    %scan3A_3 = arith.constant 1 : i32
    scf.for %scan3A_22 = %scan3A to %scan3A_2 step %scan3A_3  : i32 {
      %mul3A_23 = arith.constant 128 : i32
      %mul3A_24 = arith.muli %scan3A_22, %mul3A_23 : i32
      %add3A_25 = arith.constant 0 : i32
      %add3A_26 = arith.addi %mul3A_24, %add3A_25 : i32
      %swap3A = arith.index_cast %add3A_26 : i32 to index
      %swap3A_27 = tpu.vector_load %arg7[%swap3A] {strides = array<i32>} : memref<640xf32, #tpu.memory_space<vmem>>, vector<16xf32>,
      %swap3A_28 = vector.shape_cast %swap3A_27 : vector<16xf32> to vector<16xf32>
      %swap3A_29 = vector.shape_cast %broadcast_in_dim3A_0 : vector<16xf32> to vector<16xf32>
      tpu.vector_store %arg7[%swap3A], %swap3A_29 {strides = array<i32>} : memref<640xf32, #tpu.memory_space<vmem>>, vector<16xf32>,
      %mul3A_30 = arith.constant 128 : i32
      %mul3A_31 = arith.muli %scan3A_22, %mul3A_30 : i32
      %add3A_32 = arith.constant 16 : i32
      %add3A_33 = arith.addi %mul3A_31, %add3A_32 : i32
      %swap3A_34 = arith.index_cast %add3A_33 : i32 to index
      %swap3A_35 = tpu.vector_load %arg7[%swap3A_34] {strides = array<i32>} : memref<640xf32, #tpu.memory_space<vmem>>, vector<16xf32>,
      %swap3A_36 = vector.shape_cast %swap3A_35 : vector<16xf32> to vector<16xf32>
      %swap3A_37 = vector.shape_cast %broadcast_in_dim3A_0 : vector<16xf32> to vector<16xf32>
      tpu.vector_store %arg7[%swap3A_34], %swap3A_37 {strides = array<i32>} : memref<640xf32, #tpu.memory_space<vmem>>, vector<16xf32>,
      %mul3A_38 = arith.constant 128 : i32
      %mul3A_39 = arith.muli %scan3A_22, %mul3A_38 : i32
      %add3A_40 = arith.constant 32 : i32
      %add3A_41 = arith.addi %mul3A_39, %add3A_40 : i32
      %swap3A_42 = arith.index_cast %add3A_41 : i32 to index
      %swap3A_43 = tpu.vector_load %arg7[%swap3A_42] {strides = array<i32>} : memref<640xf32, #tpu.memory_space<vmem>>, vector<16xf32>,
      %swap3A_44 = vector.shape_cast %swap3A_43 : vector<16xf32> to vector<16xf32>
      %swap3A_45 = vector.shape_cast %broadcast_in_dim3A_0 : vector<16xf32> to vector<16xf32>
      tpu.vector_store %arg7[%swap3A_42], %swap3A_45 {strides = array<i32>} : memref<640xf32, #tpu.memory_space<vmem>>, vector<16xf32>,
      %mul3A_46 = arith.constant 128 : i32
      %mul3A_47 = arith.muli %scan3A_22, %mul3A_46 : i32
      %add3A_48 = arith.constant 48 : i32
      %add3A_49 = arith.addi %mul3A_47, %add3A_48 : i32
      %swap3A_50 = arith.index_cast %add3A_49 : i32 to index
      %swap3A_51 = tpu.vector_load %arg7[%swap3A_50] {strides = array<i32>} : memref<640xf32, #tpu.memory_space<vmem>>, vector<16xf32>,
      %swap3A_52 = vector.shape_cast %swap3A_51 : vector<16xf32> to vector<16xf32>
      %swap3A_53 = vector.shape_cast %broadcast_in_dim3A_0 : vector<16xf32> to vector<16xf32>
      tpu.vector_store %arg7[%swap3A_50], %swap3A_53 {strides = array<i32>} : memref<640xf32, #tpu.memory_space<vmem>>, vector<16xf32>,
      %mul3A_54 = arith.constant 128 : i32
      %mul3A_55 = arith.muli %scan3A_22, %mul3A_54 : i32
      %add3A_56 = arith.constant 64 : i32
      %add3A_57 = arith.addi %mul3A_55, %add3A_56 : i32
      %swap3A_58 = arith.index_cast %add3A_57 : i32 to index
      %swap3A_59 = tpu.vector_load %arg7[%swap3A_58] {strides = array<i32>} : memref<640xf32, #tpu.memory_space<vmem>>, vector<16xf32>,
      %swap3A_60 = vector.shape_cast %swap3A_59 : vector<16xf32> to vector<16xf32>
      %swap3A_61 = vector.shape_cast %broadcast_in_dim3A_0 : vector<16xf32> to vector<16xf32>
      tpu.vector_store %arg7[%swap3A_58], %swap3A_61 {strides = array<i32>} : memref<640xf32, #tpu.memory_space<vmem>>, vector<16xf32>,
      %mul3A_62 = arith.constant 128 : i32
      %mul3A_63 = arith.muli %scan3A_22, %mul3A_62 : i32
      %add3A_64 = arith.constant 80 : i32
      %add3A_65 = arith.addi %mul3A_63, %add3A_64 : i32
      %swap3A_66 = arith.index_cast %add3A_65 : i32 to index
      %swap3A_67 = tpu.vector_load %arg7[%swap3A_66] {strides = array<i32>} : memref<640xf32, #tpu.memory_space<vmem>>, vector<16xf32>,
      %swap3A_68 = vector.shape_cast %swap3A_67 : vector<16xf32> to vector<16xf32>
      %swap3A_69 = vector.shape_cast %broadcast_in_dim3A_0 : vector<16xf32> to vector<16xf32>
      tpu.vector_store %arg7[%swap3A_66], %swap3A_69 {strides = array<i32>} : memref<640xf32, #tpu.memory_space<vmem>>, vector<16xf32>,
      %mul3A_70 = arith.constant 128 : i32
      %mul3A_71 = arith.muli %scan3A_22, %mul3A_70 : i32
      %add3A_72 = arith.constant 96 : i32
      %add3A_73 = arith.addi %mul3A_71, %add3A_72 : i32
      %swap3A_74 = arith.index_cast %add3A_73 : i32 to index
      %swap3A_75 = tpu.vector_load %arg7[%swap3A_74] {strides = array<i32>} : memref<640xf32, #tpu.memory_space<vmem>>, vector<16xf32>,
      %swap3A_76 = vector.shape_cast %swap3A_75 : vector<16xf32> to vector<16xf32>
      %swap3A_77 = vector.shape_cast %broadcast_in_dim3A_0 : vector<16xf32> to vector<16xf32>
      tpu.vector_store %arg7[%swap3A_74], %swap3A_77 {strides = array<i32>} : memref<640xf32, #tpu.memory_space<vmem>>, vector<16xf32>,
      %mul3A_78 = arith.constant 128 : i32
      %mul3A_79 = arith.muli %scan3A_22, %mul3A_78 : i32
      %add3A_80 = arith.constant 112 : i32
      %add3A_81 = arith.addi %mul3A_79, %add3A_80 : i32
      %swap3A_82 = arith.index_cast %add3A_81 : i32 to index
      %swap3A_83 = tpu.vector_load %arg7[%swap3A_82] {strides = array<i32>} : memref<640xf32, #tpu.memory_space<vmem>>, vector<16xf32>,
      %swap3A_84 = vector.shape_cast %swap3A_83 : vector<16xf32> to vector<16xf32>
      %swap3A_85 = vector.shape_cast %broadcast_in_dim3A_0 : vector<16xf32> to vector<16xf32>
      tpu.vector_store %arg7[%swap3A_82], %swap3A_85 {strides = array<i32>} : memref<640xf32, #tpu.memory_space<vmem>>, vector<16xf32>,
    }
    %scan3A_4 = arith.constant 5 : i32
    %mul3A = arith.constant 640 : i32
    %mul3A_5 = arith.muli %arg1, %mul3A : i32
    "tpu.region"() ({
      %run_scoped3A = tpu.sem_alloc : memref<!tpu.dma_semaphore, #tpu.memory_space<semaphore_mem>>
      %dma_start3A = tpu.memref_slice %arg4[%mul3A_5] : memref<10240xf32, #tpu.memory_space<vmem_shared>> -> memref<640xf32, #tpu.memory_space<vmem_shared>>
      %dma_start3A_22 = tpu.memref_slice %arg4[%mul3A_5] : memref<10240xf32, #tpu.memory_space<vmem_shared>> -> memref<640xf32, #tpu.memory_space<vmem_shared>>
      tpu.enqueue_dma source(%arg7 : memref<640xf32, #tpu.memory_space<vmem>>) target(%dma_start3A_22 : memref<640xf32, #tpu.memory_space<vmem_shared>>) target_semaphore(%run_scoped3A : memref<!tpu.dma_semaphore, #tpu.memory_space<semaphore_mem>>)
      %dma_wait3A = tpu.memref_slice %arg4[%mul3A_5] : memref<10240xf32, #tpu.memory_space<vmem_shared>> -> memref<640xf32, #tpu.memory_space<vmem_shared>>
      %dma_wait3A_23 = tpu.memref_slice %arg4[%mul3A_5] : memref<10240xf32, #tpu.memory_space<vmem_shared>> -> memref<640xf32, #tpu.memory_space<vmem_shared>>
      tpu.wait_dma2 semaphore(%run_scoped3A : memref<!tpu.dma_semaphore, #tpu.memory_space<semaphore_mem>>) src(%arg7 : memref<640xf32, #tpu.memory_space<vmem>>) dst(%dma_wait3A_23 : memref<640xf32, #tpu.memory_space<vmem_shared>>)
      tpu.yield
    }) : () -> ()
    %broadcast_in_dim3A_6 = arith.constant 1.000000e+00 : f32
    %broadcast_in_dim3A_7 = vector.broadcast %broadcast_in_dim3A_6 : f32 to vector<16xf32>
    %scan3A_8 = arith.constant 0 : i32
    %scan3A_9 = arith.constant 125 : i32
    %scan3A_10 = arith.addi %scan3A_8, %scan3A_9 : i32
    %scan3A_11 = arith.constant 1 : i32
    scf.for %scan3A_22 = %scan3A_8 to %scan3A_10 step %scan3A_11  : i32 {
      %mul3A_23 = arith.constant 160 : i32
      %mul3A_24 = arith.muli %scan3A_22, %mul3A_23 : i32
      %add3A_25 = arith.constant 0 : i32
      %add3A_26 = arith.addi %mul3A_24, %add3A_25 : i32
      %swap3A = arith.index_cast %add3A_26 : i32 to index
      %swap3A_27 = tpu.vector_load %arg6[%swap3A] {strides = array<i32>} : memref<20000xf32, #tpu.memory_space<vmem>>, vector<16xf32>,
      %swap3A_28 = vector.shape_cast %swap3A_27 : vector<16xf32> to vector<16xf32>
      %swap3A_29 = vector.shape_cast %broadcast_in_dim3A_7 : vector<16xf32> to vector<16xf32>
      tpu.vector_store %arg6[%swap3A], %swap3A_29 {strides = array<i32>} : memref<20000xf32, #tpu.memory_space<vmem>>, vector<16xf32>,
      %mul3A_30 = arith.constant 160 : i32
      %mul3A_31 = arith.muli %scan3A_22, %mul3A_30 : i32
      %add3A_32 = arith.constant 16 : i32
      %add3A_33 = arith.addi %mul3A_31, %add3A_32 : i32
      %swap3A_34 = arith.index_cast %add3A_33 : i32 to index
      %swap3A_35 = tpu.vector_load %arg6[%swap3A_34] {strides = array<i32>} : memref<20000xf32, #tpu.memory_space<vmem>>, vector<16xf32>,
      %swap3A_36 = vector.shape_cast %swap3A_35 : vector<16xf32> to vector<16xf32>
      %swap3A_37 = vector.shape_cast %broadcast_in_dim3A_7 : vector<16xf32> to vector<16xf32>
      tpu.vector_store %arg6[%swap3A_34], %swap3A_37 {strides = array<i32>} : memref<20000xf32, #tpu.memory_space<vmem>>, vector<16xf32>,
      %mul3A_38 = arith.constant 160 : i32
      %mul3A_39 = arith.muli %scan3A_22, %mul3A_38 : i32
      %add3A_40 = arith.constant 32 : i32
      %add3A_41 = arith.addi %mul3A_39, %add3A_40 : i32
      %swap3A_42 = arith.index_cast %add3A_41 : i32 to index
      %swap3A_43 = tpu.vector_load %arg6[%swap3A_42] {strides = array<i32>} : memref<20000xf32, #tpu.memory_space<vmem>>, vector<16xf32>,
      %swap3A_44 = vector.shape_cast %swap3A_43 : vector<16xf32> to vector<16xf32>
      %swap3A_45 = vector.shape_cast %broadcast_in_dim3A_7 : vector<16xf32> to vector<16xf32>
      tpu.vector_store %arg6[%swap3A_42], %swap3A_45 {strides = array<i32>} : memref<20000xf32, #tpu.memory_space<vmem>>, vector<16xf32>,
      %mul3A_46 = arith.constant 160 : i32
      %mul3A_47 = arith.muli %scan3A_22, %mul3A_46 : i32
      %add3A_48 = arith.constant 48 : i32
      %add3A_49 = arith.addi %mul3A_47, %add3A_48 : i32
      %swap3A_50 = arith.index_cast %add3A_49 : i32 to index
      %swap3A_51 = tpu.vector_load %arg6[%swap3A_50] {strides = array<i32>} : memref<20000xf32, #tpu.memory_space<vmem>>, vector<16xf32>,
      %swap3A_52 = vector.shape_cast %swap3A_51 : vector<16xf32> to vector<16xf32>
      %swap3A_53 = vector.shape_cast %broadcast_in_dim3A_7 : vector<16xf32> to vector<16xf32>
      tpu.vector_store %arg6[%swap3A_50], %swap3A_53 {strides = array<i32>} : memref<20000xf32, #tpu.memory_space<vmem>>, vector<16xf32>,
      %mul3A_54 = arith.constant 160 : i32
      %mul3A_55 = arith.muli %scan3A_22, %mul3A_54 : i32
      %add3A_56 = arith.constant 64 : i32
      %add3A_57 = arith.addi %mul3A_55, %add3A_56 : i32
      %swap3A_58 = arith.index_cast %add3A_57 : i32 to index
      %swap3A_59 = tpu.vector_load %arg6[%swap3A_58] {strides = array<i32>} : memref<20000xf32, #tpu.memory_space<vmem>>, vector<16xf32>,
      %swap3A_60 = vector.shape_cast %swap3A_59 : vector<16xf32> to vector<16xf32>
      %swap3A_61 = vector.shape_cast %broadcast_in_dim3A_7 : vector<16xf32> to vector<16xf32>
      tpu.vector_store %arg6[%swap3A_58], %swap3A_61 {strides = array<i32>} : memref<20000xf32, #tpu.memory_space<vmem>>, vector<16xf32>,
      %mul3A_62 = arith.constant 160 : i32
      %mul3A_63 = arith.muli %scan3A_22, %mul3A_62 : i32
      %add3A_64 = arith.constant 80 : i32
      %add3A_65 = arith.addi %mul3A_63, %add3A_64 : i32
      %swap3A_66 = arith.index_cast %add3A_65 : i32 to index
      %swap3A_67 = tpu.vector_load %arg6[%swap3A_66] {strides = array<i32>} : memref<20000xf32, #tpu.memory_space<vmem>>, vector<16xf32>,
      %swap3A_68 = vector.shape_cast %swap3A_67 : vector<16xf32> to vector<16xf32>
      %swap3A_69 = vector.shape_cast %broadcast_in_dim3A_7 : vector<16xf32> to vector<16xf32>
      tpu.vector_store %arg6[%swap3A_66], %swap3A_69 {strides = array<i32>} : memref<20000xf32, #tpu.memory_space<vmem>>, vector<16xf32>,
      %mul3A_70 = arith.constant 160 : i32
      %mul3A_71 = arith.muli %scan3A_22, %mul3A_70 : i32
      %add3A_72 = arith.constant 96 : i32
      %add3A_73 = arith.addi %mul3A_71, %add3A_72 : i32
      %swap3A_74 = arith.index_cast %add3A_73 : i32 to index
      %swap3A_75 = tpu.vector_load %arg6[%swap3A_74] {strides = array<i32>} : memref<20000xf32, #tpu.memory_space<vmem>>, vector<16xf32>,
      %swap3A_76 = vector.shape_cast %swap3A_75 : vector<16xf32> to vector<16xf32>
      %swap3A_77 = vector.shape_cast %broadcast_in_dim3A_7 : vector<16xf32> to vector<16xf32>
      tpu.vector_store %arg6[%swap3A_74], %swap3A_77 {strides = array<i32>} : memref<20000xf32, #tpu.memory_space<vmem>>, vector<16xf32>,
      %mul3A_78 = arith.constant 160 : i32
      %mul3A_79 = arith.muli %scan3A_22, %mul3A_78 : i32
      %add3A_80 = arith.constant 112 : i32
      %add3A_81 = arith.addi %mul3A_79, %add3A_80 : i32
      %swap3A_82 = arith.index_cast %add3A_81 : i32 to index
      %swap3A_83 = tpu.vector_load %arg6[%swap3A_82] {strides = array<i32>} : memref<20000xf32, #tpu.memory_space<vmem>>, vector<16xf32>,
      %swap3A_84 = vector.shape_cast %swap3A_83 : vector<16xf32> to vector<16xf32>
      %swap3A_85 = vector.shape_cast %broadcast_in_dim3A_7 : vector<16xf32> to vector<16xf32>
      tpu.vector_store %arg6[%swap3A_82], %swap3A_85 {strides = array<i32>} : memref<20000xf32, #tpu.memory_space<vmem>>, vector<16xf32>,
      %mul3A_86 = arith.constant 160 : i32
      %mul3A_87 = arith.muli %scan3A_22, %mul3A_86 : i32
      %add3A_88 = arith.constant 128 : i32
      %add3A_89 = arith.addi %mul3A_87, %add3A_88 : i32
      %swap3A_90 = arith.index_cast %add3A_89 : i32 to index
      %swap3A_91 = tpu.vector_load %arg6[%swap3A_90] {strides = array<i32>} : memref<20000xf32, #tpu.memory_space<vmem>>, vector<16xf32>,
      %swap3A_92 = vector.shape_cast %swap3A_91 : vector<16xf32> to vector<16xf32>
      %swap3A_93 = vector.shape_cast %broadcast_in_dim3A_7 : vector<16xf32> to vector<16xf32>
      tpu.vector_store %arg6[%swap3A_90], %swap3A_93 {strides = array<i32>} : memref<20000xf32, #tpu.memory_space<vmem>>, vector<16xf32>,
      %mul3A_94 = arith.constant 160 : i32
      %mul3A_95 = arith.muli %scan3A_22, %mul3A_94 : i32
      %add3A_96 = arith.constant 144 : i32
      %add3A_97 = arith.addi %mul3A_95, %add3A_96 : i32
      %swap3A_98 = arith.index_cast %add3A_97 : i32 to index
      %swap3A_99 = tpu.vector_load %arg6[%swap3A_98] {strides = array<i32>} : memref<20000xf32, #tpu.memory_space<vmem>>, vector<16xf32>,
      %swap3A_100 = vector.shape_cast %swap3A_99 : vector<16xf32> to vector<16xf32>
      %swap3A_101 = vector.shape_cast %broadcast_in_dim3A_7 : vector<16xf32> to vector<16xf32>
      tpu.vector_store %arg6[%swap3A_98], %swap3A_101 {strides = array<i32>} : memref<20000xf32, #tpu.memory_space<vmem>>, vector<16xf32>,
    }
    %scan3A_12 = arith.constant 125 : i32
    %barrier3A = arith.constant 0 : index
    tpu.barrier barrier_id(%barrier3A)
    %mul3A_13 = arith.constant 320000 : i32
    %mul3A_14 = arith.muli %arg0, %mul3A_13 : i32
    %mul3A_15 = arith.constant 20000 : i32
    %mul3A_16 = arith.muli %arg1, %mul3A_15 : i32
    %add3A = arith.addi %mul3A_14, %mul3A_16 : i32
    "tpu.region"() ({
      %run_scoped3A = tpu.sem_alloc : memref<!tpu.dma_semaphore, #tpu.memory_space<semaphore_mem>>
      %dma_start3A = tpu.memref_slice %arg2[%add3A] : memref<640000xi32, #tpu.memory_space<hbm>> -> memref<20000xi32, #tpu.memory_space<hbm>>
      %dma_start3A_22 = tpu.memref_slice %arg2[%add3A] : memref<640000xi32, #tpu.memory_space<hbm>> -> memref<20000xi32, #tpu.memory_space<hbm>>
      tpu.enqueue_dma source(%dma_start3A_22 : memref<20000xi32, #tpu.memory_space<hbm>>) target(%arg5 : memref<20000xi32, #tpu.memory_space<vmem>>) target_semaphore(%run_scoped3A : memref<!tpu.dma_semaphore, #tpu.memory_space<semaphore_mem>>)
      %dma_wait3A = tpu.memref_slice %arg2[%add3A] : memref<640000xi32, #tpu.memory_space<hbm>> -> memref<20000xi32, #tpu.memory_space<hbm>>
      %dma_wait3A_23 = tpu.memref_slice %arg2[%add3A] : memref<640000xi32, #tpu.memory_space<hbm>> -> memref<20000xi32, #tpu.memory_space<hbm>>
      tpu.wait_dma2 semaphore(%run_scoped3A : memref<!tpu.dma_semaphore, #tpu.memory_space<semaphore_mem>>) src(%dma_wait3A_23 : memref<20000xi32, #tpu.memory_space<hbm>>) dst(%arg5 : memref<20000xi32, #tpu.memory_space<vmem>>)
      tpu.yield
    }) : () -> ()
    "tpu.region"() ({
      %run_scoped3A = tpu.sem_alloc : memref<!tpu.dma_semaphore, #tpu.memory_space<semaphore_mem>>
      %dma_start3A = arith.constant 0 : i32
      %dma_start3A_22 = tpu.memref_slice %arg4[%dma_start3A] : memref<10240xf32, #tpu.memory_space<vmem_shared>> -> memref<10240xf32, #tpu.memory_space<vmem_shared>>
      tpu.enqueue_indirect_dma source(%arg6 : memref<20000xf32, #tpu.memory_space<vmem>>) target(%dma_start3A_22 : memref<10240xf32, #tpu.memory_space<vmem_shared>>) offsets(%arg5 : memref<20000xi32, #tpu.memory_space<vmem>>) semaphore(%run_scoped3A : memref<!tpu.dma_semaphore, #tpu.memory_space<semaphore_mem>>) {add = true}
      %dma_wait3A = arith.constant 0 : i32
      %dma_wait3A_23 = tpu.memref_slice %arg4[%dma_wait3A] : memref<10240xf32, #tpu.memory_space<vmem_shared>> -> memref<10240xf32, #tpu.memory_space<vmem_shared>>
      tpu.wait_indirect_dma semaphore(%run_scoped3A : memref<!tpu.dma_semaphore, #tpu.memory_space<semaphore_mem>>) src(%arg6 : memref<20000xf32, #tpu.memory_space<vmem>>) dst(%dma_wait3A_23 : memref<10240xf32, #tpu.memory_space<vmem_shared>>)
      tpu.yield
    }) : () -> ()
    %barrier3A_17 = arith.constant 0 : index
    tpu.barrier barrier_id(%barrier3A_17)
    %mul3A_18 = arith.constant 640 : i32
    %mul3A_19 = arith.muli %arg1, %mul3A_18 : i32
    %mul3A_20 = arith.constant 640 : i32
    %mul3A_21 = arith.muli %arg1, %mul3A_20 : i32
    "tpu.region"() ({
      %run_scoped3A = tpu.sem_alloc : memref<!tpu.dma_semaphore, #tpu.memory_space<semaphore_mem>>
      %dma_start3A = tpu.memref_slice %arg3[%arg0, %mul3A_21] : memref<2x10240xf32, #tpu.memory_space<hbm>> -> memref<1x640xf32, #tpu.memory_space<hbm>>
      %dma_start3A_22 = tpu.memref_squeeze %dma_start3A : memref<1x640xf32, #tpu.memory_space<hbm>> -> memref<640xf32, #tpu.memory_space<hbm>>
      %dma_start3A_23 = tpu.memref_slice %arg4[%mul3A_19] : memref<10240xf32, #tpu.memory_space<vmem_shared>> -> memref<640xf32, #tpu.memory_space<vmem_shared>>
      tpu.enqueue_dma source(%dma_start3A_23 : memref<640xf32, #tpu.memory_space<vmem_shared>>) target(%dma_start3A_22 : memref<640xf32, #tpu.memory_space<hbm>>) target_semaphore(%run_scoped3A : memref<!tpu.dma_semaphore, #tpu.memory_space<semaphore_mem>>)
      %dma_wait3A = tpu.memref_slice %arg3[%arg0, %mul3A_21] : memref<2x10240xf32, #tpu.memory_space<hbm>> -> memref<1x640xf32, #tpu.memory_space<hbm>>
      %dma_wait3A_24 = tpu.memref_squeeze %dma_wait3A : memref<1x640xf32, #tpu.memory_space<hbm>> -> memref<640xf32, #tpu.memory_space<hbm>>
      %dma_wait3A_25 = tpu.memref_slice %arg4[%mul3A_19] : memref<10240xf32, #tpu.memory_space<vmem_shared>> -> memref<640xf32, #tpu.memory_space<vmem_shared>>
      tpu.wait_dma2 semaphore(%run_scoped3A : memref<!tpu.dma_semaphore, #tpu.memory_space<semaphore_mem>>) src(%dma_wait3A_25 : memref<640xf32, #tpu.memory_space<vmem_shared>>) dst(%dma_wait3A_24 : memref<640xf32, #tpu.memory_space<hbm>>)
      tpu.yield
    }) : () -> ()
    return
  }
}

#map = affine_map<(d0, d1) -> (0, 0)>
#map1 = affine_map<(d0, d1) -> (0, 0, 0)>
module attributes {stable_mosaic.version = 14 : i64} {
  func.func @agg(%arg0: i32, %arg1: i32, %arg2: memref<10240x64xf32, #tpu.memory_space<hbm>>, %arg3: memref<5120x128xi32, #tpu.memory_space<hbm>>, %arg4: memref<2x10240x64xf32, #tpu.memory_space<hbm>>, %arg5: memref<10240x64xf32, #tpu.memory_space<vmem_shared>>, %arg6: memref<80x128xi32, #tpu.memory_space<vmem>>, %arg7: memref<80x128xi32, #tpu.memory_space<vmem>>, %arg8: memref<128x64xf32, #tpu.memory_space<vmem>>, %arg9: memref<128x64xf32, #tpu.memory_space<vmem>>, %arg10: memref<!tpu.dma_semaphore, #tpu.memory_space<semaphore_mem>>, %arg11: memref<!tpu.dma_semaphore, #tpu.memory_space<semaphore_mem>>) attributes {dimension_semantics = [#tpu.dimension_semantics<core_parallel>, #tpu.dimension_semantics<subcore_parallel>], iteration_bounds = array<i64: 2, 16>, scalar_prefetch = 0 : i64, scratch_operands = 7 : i64, tpu.core_type = #tpu.core_type<sc_vector_subcore>, window_params = [{transform_indices = #map}, {transform_indices = #map}, {transform_indices = #map1}]} {
    %mul3A = arith.constant 2 : i32
    %mul3A_0 = arith.muli %arg1, %mul3A : i32
    %add3A = arith.addi %mul3A_0, %arg0 : i32
    %broadcast_in_dim3A = arith.constant 0.000000e+00 : f32
    %broadcast_in_dim3A_1 = vector.broadcast %broadcast_in_dim3A : f32 to vector<16xf32>
    %scan3A = arith.constant 0 : i32
    %scan3A_2 = arith.constant 128 : i32
    %scan3A_3 = arith.addi %scan3A, %scan3A_2 : i32
    %scan3A_4 = arith.constant 1 : i32
    scf.for %scan3A_51 = %scan3A to %scan3A_3 step %scan3A_4  : i32 {
      %swap3A = arith.index_cast %scan3A_51 : i32 to index
      %swap3A_52 = arith.constant 0 : index
      %swap3A_53 = tpu.vector_load %arg8[%swap3A, %swap3A_52] {strides = array<i32>} : memref<128x64xf32, #tpu.memory_space<vmem>>, vector<1x16xf32>,
      %swap3A_54 = vector.shape_cast %swap3A_53 : vector<1x16xf32> to vector<16xf32>
      %swap3A_55 = vector.shape_cast %broadcast_in_dim3A_1 : vector<16xf32> to vector<1x16xf32>
      tpu.vector_store %arg8[%swap3A, %swap3A_52], %swap3A_55 {strides = array<i32>} : memref<128x64xf32, #tpu.memory_space<vmem>>, vector<1x16xf32>,
      %swap3A_56 = arith.index_cast %scan3A_51 : i32 to index
      %swap3A_57 = arith.constant 16 : index
      %swap3A_58 = tpu.vector_load %arg8[%swap3A_56, %swap3A_57] {strides = array<i32>} : memref<128x64xf32, #tpu.memory_space<vmem>>, vector<1x16xf32>,
      %swap3A_59 = vector.shape_cast %swap3A_58 : vector<1x16xf32> to vector<16xf32>
      %swap3A_60 = vector.shape_cast %broadcast_in_dim3A_1 : vector<16xf32> to vector<1x16xf32>
      tpu.vector_store %arg8[%swap3A_56, %swap3A_57], %swap3A_60 {strides = array<i32>} : memref<128x64xf32, #tpu.memory_space<vmem>>, vector<1x16xf32>,
      %swap3A_61 = arith.index_cast %scan3A_51 : i32 to index
      %swap3A_62 = arith.constant 32 : index
      %swap3A_63 = tpu.vector_load %arg8[%swap3A_61, %swap3A_62] {strides = array<i32>} : memref<128x64xf32, #tpu.memory_space<vmem>>, vector<1x16xf32>,
      %swap3A_64 = vector.shape_cast %swap3A_63 : vector<1x16xf32> to vector<16xf32>
      %swap3A_65 = vector.shape_cast %broadcast_in_dim3A_1 : vector<16xf32> to vector<1x16xf32>
      tpu.vector_store %arg8[%swap3A_61, %swap3A_62], %swap3A_65 {strides = array<i32>} : memref<128x64xf32, #tpu.memory_space<vmem>>, vector<1x16xf32>,
      %swap3A_66 = arith.index_cast %scan3A_51 : i32 to index
      %swap3A_67 = arith.constant 48 : index
      %swap3A_68 = tpu.vector_load %arg8[%swap3A_66, %swap3A_67] {strides = array<i32>} : memref<128x64xf32, #tpu.memory_space<vmem>>, vector<1x16xf32>,
      %swap3A_69 = vector.shape_cast %swap3A_68 : vector<1x16xf32> to vector<16xf32>
      %swap3A_70 = vector.shape_cast %broadcast_in_dim3A_1 : vector<16xf32> to vector<1x16xf32>
      tpu.vector_store %arg8[%swap3A_66, %swap3A_67], %swap3A_70 {strides = array<i32>} : memref<128x64xf32, #tpu.memory_space<vmem>>, vector<1x16xf32>,
    }
    %scan3A_5 = arith.constant 128 : i32
    %mul3A_6 = arith.constant 640 : i32
    %mul3A_7 = arith.muli %arg1, %mul3A_6 : i32
    %add3A_8 = arith.constant 0 : i32
    %add3A_9 = arith.addi %mul3A_7, %add3A_8 : i32
    "tpu.region"() ({
      %run_scoped3A = tpu.sem_alloc : memref<!tpu.dma_semaphore, #tpu.memory_space<semaphore_mem>>
      %dma_start3A_51 = arith.constant 0 : i32
      %dma_start3A_52 = tpu.memref_slice %arg5[%add3A_9, %dma_start3A_51] : memref<10240x64xf32, #tpu.memory_space<vmem_shared>> -> memref<128x64xf32, #tpu.memory_space<vmem_shared>>
      %dma_start3A_53 = arith.constant 0 : i32
      %dma_start3A_54 = tpu.memref_slice %arg5[%add3A_9, %dma_start3A_53] : memref<10240x64xf32, #tpu.memory_space<vmem_shared>> -> memref<128x64xf32, #tpu.memory_space<vmem_shared>>
      tpu.enqueue_dma source(%arg8 : memref<128x64xf32, #tpu.memory_space<vmem>>) target(%dma_start3A_54 : memref<128x64xf32, #tpu.memory_space<vmem_shared>>) target_semaphore(%run_scoped3A : memref<!tpu.dma_semaphore, #tpu.memory_space<semaphore_mem>>)
      %dma_wait3A = arith.constant 0 : i32
      %dma_wait3A_55 = tpu.memref_slice %arg5[%add3A_9, %dma_wait3A] : memref<10240x64xf32, #tpu.memory_space<vmem_shared>> -> memref<128x64xf32, #tpu.memory_space<vmem_shared>>
      %dma_wait3A_56 = arith.constant 0 : i32
      %dma_wait3A_57 = tpu.memref_slice %arg5[%add3A_9, %dma_wait3A_56] : memref<10240x64xf32, #tpu.memory_space<vmem_shared>> -> memref<128x64xf32, #tpu.memory_space<vmem_shared>>
      tpu.wait_dma2 semaphore(%run_scoped3A : memref<!tpu.dma_semaphore, #tpu.memory_space<semaphore_mem>>) src(%arg8 : memref<128x64xf32, #tpu.memory_space<vmem>>) dst(%dma_wait3A_57 : memref<128x64xf32, #tpu.memory_space<vmem_shared>>)
      tpu.yield
    }) : () -> ()
    %mul3A_10 = arith.constant 640 : i32
    %mul3A_11 = arith.muli %arg1, %mul3A_10 : i32
    %add3A_12 = arith.constant 128 : i32
    %add3A_13 = arith.addi %mul3A_11, %add3A_12 : i32
    "tpu.region"() ({
      %run_scoped3A = tpu.sem_alloc : memref<!tpu.dma_semaphore, #tpu.memory_space<semaphore_mem>>
      %dma_start3A_51 = arith.constant 0 : i32
      %dma_start3A_52 = tpu.memref_slice %arg5[%add3A_13, %dma_start3A_51] : memref<10240x64xf32, #tpu.memory_space<vmem_shared>> -> memref<128x64xf32, #tpu.memory_space<vmem_shared>>
      %dma_start3A_53 = arith.constant 0 : i32
      %dma_start3A_54 = tpu.memref_slice %arg5[%add3A_13, %dma_start3A_53] : memref<10240x64xf32, #tpu.memory_space<vmem_shared>> -> memref<128x64xf32, #tpu.memory_space<vmem_shared>>
      tpu.enqueue_dma source(%arg8 : memref<128x64xf32, #tpu.memory_space<vmem>>) target(%dma_start3A_54 : memref<128x64xf32, #tpu.memory_space<vmem_shared>>) target_semaphore(%run_scoped3A : memref<!tpu.dma_semaphore, #tpu.memory_space<semaphore_mem>>)
      %dma_wait3A = arith.constant 0 : i32
      %dma_wait3A_55 = tpu.memref_slice %arg5[%add3A_13, %dma_wait3A] : memref<10240x64xf32, #tpu.memory_space<vmem_shared>> -> memref<128x64xf32, #tpu.memory_space<vmem_shared>>
      %dma_wait3A_56 = arith.constant 0 : i32
      %dma_wait3A_57 = tpu.memref_slice %arg5[%add3A_13, %dma_wait3A_56] : memref<10240x64xf32, #tpu.memory_space<vmem_shared>> -> memref<128x64xf32, #tpu.memory_space<vmem_shared>>
      tpu.wait_dma2 semaphore(%run_scoped3A : memref<!tpu.dma_semaphore, #tpu.memory_space<semaphore_mem>>) src(%arg8 : memref<128x64xf32, #tpu.memory_space<vmem>>) dst(%dma_wait3A_57 : memref<128x64xf32, #tpu.memory_space<vmem_shared>>)
      tpu.yield
    }) : () -> ()
    %mul3A_14 = arith.constant 640 : i32
    %mul3A_15 = arith.muli %arg1, %mul3A_14 : i32
    %add3A_16 = arith.constant 256 : i32
    %add3A_17 = arith.addi %mul3A_15, %add3A_16 : i32
    "tpu.region"() ({
      %run_scoped3A = tpu.sem_alloc : memref<!tpu.dma_semaphore, #tpu.memory_space<semaphore_mem>>
      %dma_start3A_51 = arith.constant 0 : i32
      %dma_start3A_52 = tpu.memref_slice %arg5[%add3A_17, %dma_start3A_51] : memref<10240x64xf32, #tpu.memory_space<vmem_shared>> -> memref<128x64xf32, #tpu.memory_space<vmem_shared>>
      %dma_start3A_53 = arith.constant 0 : i32
      %dma_start3A_54 = tpu.memref_slice %arg5[%add3A_17, %dma_start3A_53] : memref<10240x64xf32, #tpu.memory_space<vmem_shared>> -> memref<128x64xf32, #tpu.memory_space<vmem_shared>>
      tpu.enqueue_dma source(%arg8 : memref<128x64xf32, #tpu.memory_space<vmem>>) target(%dma_start3A_54 : memref<128x64xf32, #tpu.memory_space<vmem_shared>>) target_semaphore(%run_scoped3A : memref<!tpu.dma_semaphore, #tpu.memory_space<semaphore_mem>>)
      %dma_wait3A = arith.constant 0 : i32
      %dma_wait3A_55 = tpu.memref_slice %arg5[%add3A_17, %dma_wait3A] : memref<10240x64xf32, #tpu.memory_space<vmem_shared>> -> memref<128x64xf32, #tpu.memory_space<vmem_shared>>
      %dma_wait3A_56 = arith.constant 0 : i32
      %dma_wait3A_57 = tpu.memref_slice %arg5[%add3A_17, %dma_wait3A_56] : memref<10240x64xf32, #tpu.memory_space<vmem_shared>> -> memref<128x64xf32, #tpu.memory_space<vmem_shared>>
      tpu.wait_dma2 semaphore(%run_scoped3A : memref<!tpu.dma_semaphore, #tpu.memory_space<semaphore_mem>>) src(%arg8 : memref<128x64xf32, #tpu.memory_space<vmem>>) dst(%dma_wait3A_57 : memref<128x64xf32, #tpu.memory_space<vmem_shared>>)
      tpu.yield
    }) : () -> ()
    %mul3A_18 = arith.constant 640 : i32
    %mul3A_19 = arith.muli %arg1, %mul3A_18 : i32
    %add3A_20 = arith.constant 384 : i32
    %add3A_21 = arith.addi %mul3A_19, %add3A_20 : i32
    "tpu.region"() ({
      %run_scoped3A = tpu.sem_alloc : memref<!tpu.dma_semaphore, #tpu.memory_space<semaphore_mem>>
      %dma_start3A_51 = arith.constant 0 : i32
      %dma_start3A_52 = tpu.memref_slice %arg5[%add3A_21, %dma_start3A_51] : memref<10240x64xf32, #tpu.memory_space<vmem_shared>> -> memref<128x64xf32, #tpu.memory_space<vmem_shared>>
      %dma_start3A_53 = arith.constant 0 : i32
      %dma_start3A_54 = tpu.memref_slice %arg5[%add3A_21, %dma_start3A_53] : memref<10240x64xf32, #tpu.memory_space<vmem_shared>> -> memref<128x64xf32, #tpu.memory_space<vmem_shared>>
      tpu.enqueue_dma source(%arg8 : memref<128x64xf32, #tpu.memory_space<vmem>>) target(%dma_start3A_54 : memref<128x64xf32, #tpu.memory_space<vmem_shared>>) target_semaphore(%run_scoped3A : memref<!tpu.dma_semaphore, #tpu.memory_space<semaphore_mem>>)
      %dma_wait3A = arith.constant 0 : i32
      %dma_wait3A_55 = tpu.memref_slice %arg5[%add3A_21, %dma_wait3A] : memref<10240x64xf32, #tpu.memory_space<vmem_shared>> -> memref<128x64xf32, #tpu.memory_space<vmem_shared>>
      %dma_wait3A_56 = arith.constant 0 : i32
      %dma_wait3A_57 = tpu.memref_slice %arg5[%add3A_21, %dma_wait3A_56] : memref<10240x64xf32, #tpu.memory_space<vmem_shared>> -> memref<128x64xf32, #tpu.memory_space<vmem_shared>>
      tpu.wait_dma2 semaphore(%run_scoped3A : memref<!tpu.dma_semaphore, #tpu.memory_space<semaphore_mem>>) src(%arg8 : memref<128x64xf32, #tpu.memory_space<vmem>>) dst(%dma_wait3A_57 : memref<128x64xf32, #tpu.memory_space<vmem_shared>>)
      tpu.yield
    }) : () -> ()
    %mul3A_22 = arith.constant 640 : i32
    %mul3A_23 = arith.muli %arg1, %mul3A_22 : i32
    %add3A_24 = arith.constant 512 : i32
    %add3A_25 = arith.addi %mul3A_23, %add3A_24 : i32
    "tpu.region"() ({
      %run_scoped3A = tpu.sem_alloc : memref<!tpu.dma_semaphore, #tpu.memory_space<semaphore_mem>>
      %dma_start3A_51 = arith.constant 0 : i32
      %dma_start3A_52 = tpu.memref_slice %arg5[%add3A_25, %dma_start3A_51] : memref<10240x64xf32, #tpu.memory_space<vmem_shared>> -> memref<128x64xf32, #tpu.memory_space<vmem_shared>>
      %dma_start3A_53 = arith.constant 0 : i32
      %dma_start3A_54 = tpu.memref_slice %arg5[%add3A_25, %dma_start3A_53] : memref<10240x64xf32, #tpu.memory_space<vmem_shared>> -> memref<128x64xf32, #tpu.memory_space<vmem_shared>>
      tpu.enqueue_dma source(%arg8 : memref<128x64xf32, #tpu.memory_space<vmem>>) target(%dma_start3A_54 : memref<128x64xf32, #tpu.memory_space<vmem_shared>>) target_semaphore(%run_scoped3A : memref<!tpu.dma_semaphore, #tpu.memory_space<semaphore_mem>>)
      %dma_wait3A = arith.constant 0 : i32
      %dma_wait3A_55 = tpu.memref_slice %arg5[%add3A_25, %dma_wait3A] : memref<10240x64xf32, #tpu.memory_space<vmem_shared>> -> memref<128x64xf32, #tpu.memory_space<vmem_shared>>
      %dma_wait3A_56 = arith.constant 0 : i32
      %dma_wait3A_57 = tpu.memref_slice %arg5[%add3A_25, %dma_wait3A_56] : memref<10240x64xf32, #tpu.memory_space<vmem_shared>> -> memref<128x64xf32, #tpu.memory_space<vmem_shared>>
      tpu.wait_dma2 semaphore(%run_scoped3A : memref<!tpu.dma_semaphore, #tpu.memory_space<semaphore_mem>>) src(%arg8 : memref<128x64xf32, #tpu.memory_space<vmem>>) dst(%dma_wait3A_57 : memref<128x64xf32, #tpu.memory_space<vmem_shared>>)
      tpu.yield
    }) : () -> ()
    %barrier3A = arith.constant 0 : index
    tpu.barrier barrier_id(%barrier3A)
    %mul3A_26 = arith.constant 80 : i32
    %mul3A_27 = arith.muli %add3A, %mul3A_26 : i32
    %scan3A_28 = arith.constant 0 : i32
    %mul3A_29 = arith.constant 80 : i32
    %mul3A_30 = arith.muli %scan3A_28, %mul3A_29 : i32
    %add3A_31 = arith.addi %mul3A_27, %mul3A_30 : i32
    "tpu.region"() ({
      %run_scoped3A = tpu.sem_alloc : memref<!tpu.dma_semaphore, #tpu.memory_space<semaphore_mem>>
      %dma_start3A_51 = arith.constant 0 : i32
      %dma_start3A_52 = tpu.memref_slice %arg3[%add3A_31, %dma_start3A_51] : memref<5120x128xi32, #tpu.memory_space<hbm>> -> memref<80x128xi32, #tpu.memory_space<hbm>>
      %dma_start3A_53 = arith.constant 0 : i32
      %dma_start3A_54 = tpu.memref_slice %arg3[%add3A_31, %dma_start3A_53] : memref<5120x128xi32, #tpu.memory_space<hbm>> -> memref<80x128xi32, #tpu.memory_space<hbm>>
      tpu.enqueue_dma source(%dma_start3A_54 : memref<80x128xi32, #tpu.memory_space<hbm>>) target(%arg6 : memref<80x128xi32, #tpu.memory_space<vmem>>) target_semaphore(%run_scoped3A : memref<!tpu.dma_semaphore, #tpu.memory_space<semaphore_mem>>)
      %dma_wait3A = arith.constant 0 : i32
      %dma_wait3A_55 = tpu.memref_slice %arg3[%add3A_31, %dma_wait3A] : memref<5120x128xi32, #tpu.memory_space<hbm>> -> memref<80x128xi32, #tpu.memory_space<hbm>>
      %dma_wait3A_56 = arith.constant 0 : i32
      %dma_wait3A_57 = tpu.memref_slice %arg3[%add3A_31, %dma_wait3A_56] : memref<5120x128xi32, #tpu.memory_space<hbm>> -> memref<80x128xi32, #tpu.memory_space<hbm>>
      tpu.wait_dma2 semaphore(%run_scoped3A : memref<!tpu.dma_semaphore, #tpu.memory_space<semaphore_mem>>) src(%dma_wait3A_57 : memref<80x128xi32, #tpu.memory_space<hbm>>) dst(%arg6 : memref<80x128xi32, #tpu.memory_space<vmem>>)
      tpu.yield
    }) : () -> ()
    %add3A_32 = arith.constant 2560 : i32
    %add3A_33 = arith.addi %add3A_32, %add3A_31 : i32
    "tpu.region"() ({
      %run_scoped3A = tpu.sem_alloc : memref<!tpu.dma_semaphore, #tpu.memory_space<semaphore_mem>>
      %dma_start3A_51 = arith.constant 0 : i32
      %dma_start3A_52 = tpu.memref_slice %arg3[%add3A_33, %dma_start3A_51] : memref<5120x128xi32, #tpu.memory_space<hbm>> -> memref<80x128xi32, #tpu.memory_space<hbm>>
      %dma_start3A_53 = arith.constant 0 : i32
      %dma_start3A_54 = tpu.memref_slice %arg3[%add3A_33, %dma_start3A_53] : memref<5120x128xi32, #tpu.memory_space<hbm>> -> memref<80x128xi32, #tpu.memory_space<hbm>>
      tpu.enqueue_dma source(%dma_start3A_54 : memref<80x128xi32, #tpu.memory_space<hbm>>) target(%arg7 : memref<80x128xi32, #tpu.memory_space<vmem>>) target_semaphore(%run_scoped3A : memref<!tpu.dma_semaphore, #tpu.memory_space<semaphore_mem>>)
      %dma_wait3A = arith.constant 0 : i32
      %dma_wait3A_55 = tpu.memref_slice %arg3[%add3A_33, %dma_wait3A] : memref<5120x128xi32, #tpu.memory_space<hbm>> -> memref<80x128xi32, #tpu.memory_space<hbm>>
      %dma_wait3A_56 = arith.constant 0 : i32
      %dma_wait3A_57 = tpu.memref_slice %arg3[%add3A_33, %dma_wait3A_56] : memref<5120x128xi32, #tpu.memory_space<hbm>> -> memref<80x128xi32, #tpu.memory_space<hbm>>
      tpu.wait_dma2 semaphore(%run_scoped3A : memref<!tpu.dma_semaphore, #tpu.memory_space<semaphore_mem>>) src(%dma_wait3A_57 : memref<80x128xi32, #tpu.memory_space<hbm>>) dst(%arg7 : memref<80x128xi32, #tpu.memory_space<vmem>>)
      tpu.yield
    }) : () -> ()
    %dma_start3A = arith.constant 0 : i32
    %dma_start3A_34 = arith.constant 0 : i32
    %dma_start3A_35 = tpu.memref_slice %arg6[%dma_start3A, %dma_start3A_34] : memref<80x128xi32, #tpu.memory_space<vmem>> -> memref<1x128xi32, #tpu.memory_space<vmem>>
    %dma_start3A_36 = tpu.memref_squeeze %dma_start3A_35 : memref<1x128xi32, #tpu.memory_space<vmem>> -> memref<128xi32, #tpu.memory_space<vmem>>
    %dma_start3A_37 = arith.constant 0 : i32
    %dma_start3A_38 = arith.constant 0 : i32
    %dma_start3A_39 = tpu.memref_slice %arg2[%dma_start3A_37, %dma_start3A_38] : memref<10240x64xf32, #tpu.memory_space<hbm>> -> memref<10240x64xf32, #tpu.memory_space<hbm>>
    tpu.enqueue_indirect_dma source(%dma_start3A_39 : memref<10240x64xf32, #tpu.memory_space<hbm>>) target(%arg8 : memref<128x64xf32, #tpu.memory_space<vmem>>) offsets(%dma_start3A_36 : memref<128xi32, #tpu.memory_space<vmem>>) semaphore(%arg10 : memref<!tpu.dma_semaphore, #tpu.memory_space<semaphore_mem>>)
    %scan3A_40 = arith.constant 0 : i32
    %scan3A_41 = arith.constant 40 : i32
    %scan3A_42 = arith.addi %scan3A_40, %scan3A_41 : i32
    %scan3A_43 = arith.constant 1 : i32
    scf.for %scan3A_51 = %scan3A_40 to %scan3A_42 step %scan3A_43  : i32 {
      %mul3A_52 = arith.constant 2 : i32
      %mul3A_53 = arith.muli %mul3A_52, %scan3A_51 : i32
      %add3A_54 = arith.constant 1 : i32
      %add3A_55 = arith.addi %mul3A_53, %add3A_54 : i32
      %dma_start3A_56 = arith.constant 0 : i32
      %dma_start3A_57 = tpu.memref_slice %arg6[%add3A_55, %dma_start3A_56] : memref<80x128xi32, #tpu.memory_space<vmem>> -> memref<1x128xi32, #tpu.memory_space<vmem>>
      %dma_start3A_58 = tpu.memref_squeeze %dma_start3A_57 : memref<1x128xi32, #tpu.memory_space<vmem>> -> memref<128xi32, #tpu.memory_space<vmem>>
      %dma_start3A_59 = arith.constant 0 : i32
      %dma_start3A_60 = arith.constant 0 : i32
      %dma_start3A_61 = tpu.memref_slice %arg2[%dma_start3A_59, %dma_start3A_60] : memref<10240x64xf32, #tpu.memory_space<hbm>> -> memref<10240x64xf32, #tpu.memory_space<hbm>>
      tpu.enqueue_indirect_dma source(%dma_start3A_61 : memref<10240x64xf32, #tpu.memory_space<hbm>>) target(%arg9 : memref<128x64xf32, #tpu.memory_space<vmem>>) offsets(%dma_start3A_58 : memref<128xi32, #tpu.memory_space<vmem>>) semaphore(%arg11 : memref<!tpu.dma_semaphore, #tpu.memory_space<semaphore_mem>>)
      %dma_wait3A = arith.constant 0 : i32
      %dma_wait3A_62 = tpu.memref_slice %arg6[%mul3A_53, %dma_wait3A] : memref<80x128xi32, #tpu.memory_space<vmem>> -> memref<1x128xi32, #tpu.memory_space<vmem>>
      %dma_wait3A_63 = tpu.memref_squeeze %dma_wait3A_62 : memref<1x128xi32, #tpu.memory_space<vmem>> -> memref<128xi32, #tpu.memory_space<vmem>>
      %dma_wait3A_64 = arith.constant 0 : i32
      %dma_wait3A_65 = arith.constant 0 : i32
      %dma_wait3A_66 = tpu.memref_slice %arg2[%dma_wait3A_64, %dma_wait3A_65] : memref<10240x64xf32, #tpu.memory_space<hbm>> -> memref<10240x64xf32, #tpu.memory_space<hbm>>
      tpu.wait_indirect_dma semaphore(%arg10 : memref<!tpu.dma_semaphore, #tpu.memory_space<semaphore_mem>>) src(%dma_wait3A_66 : memref<10240x64xf32, #tpu.memory_space<hbm>>) dst(%arg8 : memref<128x64xf32, #tpu.memory_space<vmem>>)
      "tpu.region"() ({
        %run_scoped3A = tpu.sem_alloc : memref<!tpu.dma_semaphore, #tpu.memory_space<semaphore_mem>>
        %dma_start3A_79 = arith.constant 0 : i32
        %dma_start3A_80 = tpu.memref_slice %arg7[%mul3A_53, %dma_start3A_79] : memref<80x128xi32, #tpu.memory_space<vmem>> -> memref<1x128xi32, #tpu.memory_space<vmem>>
        %dma_start3A_81 = tpu.memref_squeeze %dma_start3A_80 : memref<1x128xi32, #tpu.memory_space<vmem>> -> memref<128xi32, #tpu.memory_space<vmem>>
        %dma_start3A_82 = arith.constant 0 : i32
        %dma_start3A_83 = arith.constant 0 : i32
        %dma_start3A_84 = tpu.memref_slice %arg5[%dma_start3A_82, %dma_start3A_83] : memref<10240x64xf32, #tpu.memory_space<vmem_shared>> -> memref<10240x64xf32, #tpu.memory_space<vmem_shared>>
        tpu.enqueue_indirect_dma source(%arg8 : memref<128x64xf32, #tpu.memory_space<vmem>>) target(%dma_start3A_84 : memref<10240x64xf32, #tpu.memory_space<vmem_shared>>) offsets(%dma_start3A_81 : memref<128xi32, #tpu.memory_space<vmem>>) semaphore(%run_scoped3A : memref<!tpu.dma_semaphore, #tpu.memory_space<semaphore_mem>>) {add = true}
        %dma_wait3A_85 = arith.constant 0 : i32
        %dma_wait3A_86 = tpu.memref_slice %arg7[%mul3A_53, %dma_wait3A_85] : memref<80x128xi32, #tpu.memory_space<vmem>> -> memref<1x128xi32, #tpu.memory_space<vmem>>
        %dma_wait3A_87 = tpu.memref_squeeze %dma_wait3A_86 : memref<1x128xi32, #tpu.memory_space<vmem>> -> memref<128xi32, #tpu.memory_space<vmem>>
        %dma_wait3A_88 = arith.constant 0 : i32
        %dma_wait3A_89 = arith.constant 0 : i32
        %dma_wait3A_90 = tpu.memref_slice %arg5[%dma_wait3A_88, %dma_wait3A_89] : memref<10240x64xf32, #tpu.memory_space<vmem_shared>> -> memref<10240x64xf32, #tpu.memory_space<vmem_shared>>
        tpu.wait_indirect_dma semaphore(%run_scoped3A : memref<!tpu.dma_semaphore, #tpu.memory_space<semaphore_mem>>) src(%arg8 : memref<128x64xf32, #tpu.memory_space<vmem>>) dst(%dma_wait3A_90 : memref<10240x64xf32, #tpu.memory_space<vmem_shared>>)
        tpu.yield
      }) : () -> ()
      %lt3A = arith.constant 39 : i32
      %lt3A_67 = arith.cmpi slt, %scan3A_51, %lt3A : i32
      %convert_element_type3A = arith.extui %lt3A_67 : i1 to i32
      %cond3A = arith.constant 0 : i32
      %cond3A_68 = arith.cmpi ne, %convert_element_type3A, %cond3A : i32
      scf.if %cond3A_68 {
        %add3A_79 = arith.constant 2 : i32
        %add3A_80 = arith.addi %mul3A_53, %add3A_79 : i32
        %dma_start3A_81 = arith.constant 0 : i32
        %dma_start3A_82 = tpu.memref_slice %arg6[%add3A_80, %dma_start3A_81] : memref<80x128xi32, #tpu.memory_space<vmem>> -> memref<1x128xi32, #tpu.memory_space<vmem>>
        %dma_start3A_83 = tpu.memref_squeeze %dma_start3A_82 : memref<1x128xi32, #tpu.memory_space<vmem>> -> memref<128xi32, #tpu.memory_space<vmem>>
        %dma_start3A_84 = arith.constant 0 : i32
        %dma_start3A_85 = arith.constant 0 : i32
        %dma_start3A_86 = tpu.memref_slice %arg2[%dma_start3A_84, %dma_start3A_85] : memref<10240x64xf32, #tpu.memory_space<hbm>> -> memref<10240x64xf32, #tpu.memory_space<hbm>>
        tpu.enqueue_indirect_dma source(%dma_start3A_86 : memref<10240x64xf32, #tpu.memory_space<hbm>>) target(%arg8 : memref<128x64xf32, #tpu.memory_space<vmem>>) offsets(%dma_start3A_83 : memref<128xi32, #tpu.memory_space<vmem>>) semaphore(%arg10 : memref<!tpu.dma_semaphore, #tpu.memory_space<semaphore_mem>>)
      } else {
      }
      %add3A_69 = arith.constant 1 : i32
      %add3A_70 = arith.addi %mul3A_53, %add3A_69 : i32
      %dma_wait3A_71 = arith.constant 0 : i32
      %dma_wait3A_72 = tpu.memref_slice %arg6[%add3A_70, %dma_wait3A_71] : memref<80x128xi32, #tpu.memory_space<vmem>> -> memref<1x128xi32, #tpu.memory_space<vmem>>
      %dma_wait3A_73 = tpu.memref_squeeze %dma_wait3A_72 : memref<1x128xi32, #tpu.memory_space<vmem>> -> memref<128xi32, #tpu.memory_space<vmem>>
      %dma_wait3A_74 = arith.constant 0 : i32
      %dma_wait3A_75 = arith.constant 0 : i32
      %dma_wait3A_76 = tpu.memref_slice %arg2[%dma_wait3A_74, %dma_wait3A_75] : memref<10240x64xf32, #tpu.memory_space<hbm>> -> memref<10240x64xf32, #tpu.memory_space<hbm>>
      tpu.wait_indirect_dma semaphore(%arg11 : memref<!tpu.dma_semaphore, #tpu.memory_space<semaphore_mem>>) src(%dma_wait3A_76 : memref<10240x64xf32, #tpu.memory_space<hbm>>) dst(%arg9 : memref<128x64xf32, #tpu.memory_space<vmem>>)
      %add3A_77 = arith.constant 1 : i32
      %add3A_78 = arith.addi %mul3A_53, %add3A_77 : i32
      "tpu.region"() ({
        %run_scoped3A = tpu.sem_alloc : memref<!tpu.dma_semaphore, #tpu.memory_space<semaphore_mem>>
        %dma_start3A_79 = arith.constant 0 : i32
        %dma_start3A_80 = tpu.memref_slice %arg7[%add3A_78, %dma_start3A_79] : memref<80x128xi32, #tpu.memory_space<vmem>> -> memref<1x128xi32, #tpu.memory_space<vmem>>
        %dma_start3A_81 = tpu.memref_squeeze %dma_start3A_80 : memref<1x128xi32, #tpu.memory_space<vmem>> -> memref<128xi32, #tpu.memory_space<vmem>>
        %dma_start3A_82 = arith.constant 0 : i32
        %dma_start3A_83 = arith.constant 0 : i32
        %dma_start3A_84 = tpu.memref_slice %arg5[%dma_start3A_82, %dma_start3A_83] : memref<10240x64xf32, #tpu.memory_space<vmem_shared>> -> memref<10240x64xf32, #tpu.memory_space<vmem_shared>>
        tpu.enqueue_indirect_dma source(%arg9 : memref<128x64xf32, #tpu.memory_space<vmem>>) target(%dma_start3A_84 : memref<10240x64xf32, #tpu.memory_space<vmem_shared>>) offsets(%dma_start3A_81 : memref<128xi32, #tpu.memory_space<vmem>>) semaphore(%run_scoped3A : memref<!tpu.dma_semaphore, #tpu.memory_space<semaphore_mem>>) {add = true}
        %dma_wait3A_85 = arith.constant 0 : i32
        %dma_wait3A_86 = tpu.memref_slice %arg7[%add3A_78, %dma_wait3A_85] : memref<80x128xi32, #tpu.memory_space<vmem>> -> memref<1x128xi32, #tpu.memory_space<vmem>>
        %dma_wait3A_87 = tpu.memref_squeeze %dma_wait3A_86 : memref<1x128xi32, #tpu.memory_space<vmem>> -> memref<128xi32, #tpu.memory_space<vmem>>
        %dma_wait3A_88 = arith.constant 0 : i32
        %dma_wait3A_89 = arith.constant 0 : i32
        %dma_wait3A_90 = tpu.memref_slice %arg5[%dma_wait3A_88, %dma_wait3A_89] : memref<10240x64xf32, #tpu.memory_space<vmem_shared>> -> memref<10240x64xf32, #tpu.memory_space<vmem_shared>>
        tpu.wait_indirect_dma semaphore(%run_scoped3A : memref<!tpu.dma_semaphore, #tpu.memory_space<semaphore_mem>>) src(%arg9 : memref<128x64xf32, #tpu.memory_space<vmem>>) dst(%dma_wait3A_90 : memref<10240x64xf32, #tpu.memory_space<vmem_shared>>)
        tpu.yield
      }) : () -> ()
    }
    %scan3A_44 = arith.constant 40 : i32
    %scan3A_45 = arith.constant 1 : i32
    %barrier3A_46 = arith.constant 0 : index
    tpu.barrier barrier_id(%barrier3A_46)
    %mul3A_47 = arith.constant 640 : i32
    %mul3A_48 = arith.muli %arg1, %mul3A_47 : i32
    %mul3A_49 = arith.constant 640 : i32
    %mul3A_50 = arith.muli %arg1, %mul3A_49 : i32
    "tpu.region"() ({
      %run_scoped3A = tpu.sem_alloc : memref<!tpu.dma_semaphore, #tpu.memory_space<semaphore_mem>>
      %dma_start3A_51 = arith.constant 0 : i32
      %dma_start3A_52 = tpu.memref_slice %arg4[%arg0, %mul3A_50, %dma_start3A_51] : memref<2x10240x64xf32, #tpu.memory_space<hbm>> -> memref<1x640x64xf32, #tpu.memory_space<hbm>>
      %dma_start3A_53 = tpu.memref_squeeze %dma_start3A_52 : memref<1x640x64xf32, #tpu.memory_space<hbm>> -> memref<640x64xf32, #tpu.memory_space<hbm>>
      %dma_start3A_54 = arith.constant 0 : i32
      %dma_start3A_55 = tpu.memref_slice %arg5[%mul3A_48, %dma_start3A_54] : memref<10240x64xf32, #tpu.memory_space<vmem_shared>> -> memref<640x64xf32, #tpu.memory_space<vmem_shared>>
      tpu.enqueue_dma source(%dma_start3A_55 : memref<640x64xf32, #tpu.memory_space<vmem_shared>>) target(%dma_start3A_53 : memref<640x64xf32, #tpu.memory_space<hbm>>) target_semaphore(%run_scoped3A : memref<!tpu.dma_semaphore, #tpu.memory_space<semaphore_mem>>)
      %dma_wait3A = arith.constant 0 : i32
      %dma_wait3A_56 = tpu.memref_slice %arg4[%arg0, %mul3A_50, %dma_wait3A] : memref<2x10240x64xf32, #tpu.memory_space<hbm>> -> memref<1x640x64xf32, #tpu.memory_space<hbm>>
      %dma_wait3A_57 = tpu.memref_squeeze %dma_wait3A_56 : memref<1x640x64xf32, #tpu.memory_space<hbm>> -> memref<640x64xf32, #tpu.memory_space<hbm>>
      %dma_wait3A_58 = arith.constant 0 : i32
      %dma_wait3A_59 = tpu.memref_slice %arg5[%mul3A_48, %dma_wait3A_58] : memref<10240x64xf32, #tpu.memory_space<vmem_shared>> -> memref<640x64xf32, #tpu.memory_space<vmem_shared>>
      tpu.wait_dma2 semaphore(%run_scoped3A : memref<!tpu.dma_semaphore, #tpu.memory_space<semaphore_mem>>) src(%dma_wait3A_59 : memref<640x64xf32, #tpu.memory_space<vmem_shared>>) dst(%dma_wait3A_57 : memref<640x64xf32, #tpu.memory_space<hbm>>)
      tpu.yield
    }) : () -> ()
    return
  }
}

#map = affine_map<(d0, d1) -> (0, 0)>
#map1 = affine_map<(d0, d1) -> (0, 0, 0)>
module attributes {stable_mosaic.version = 14 : i64} {
  func.func @agg(%arg0: i32, %arg1: i32, %arg2: memref<10240x128xf32, #tpu.memory_space<hbm>>, %arg3: memref<5120x128xi32, #tpu.memory_space<hbm>>, %arg4: memref<2x10240x128xf32, #tpu.memory_space<hbm>>, %arg5: memref<10240x128xf32, #tpu.memory_space<vmem_shared>>, %arg6: memref<40x128xi32, #tpu.memory_space<vmem>>, %arg7: memref<40x128xi32, #tpu.memory_space<vmem>>, %arg8: memref<128x128xf32, #tpu.memory_space<vmem>>, %arg9: memref<128x128xf32, #tpu.memory_space<vmem>>, %arg10: memref<!tpu.dma_semaphore, #tpu.memory_space<semaphore_mem>>, %arg11: memref<!tpu.dma_semaphore, #tpu.memory_space<semaphore_mem>>) attributes {dimension_semantics = [#tpu.dimension_semantics<core_parallel>, #tpu.dimension_semantics<subcore_parallel>], iteration_bounds = array<i64: 2, 16>, scalar_prefetch = 0 : i64, scratch_operands = 7 : i64, tpu.core_type = #tpu.core_type<sc_vector_subcore>, window_params = [{transform_indices = #map}, {transform_indices = #map}, {transform_indices = #map1}]} {
    %mul3A = arith.constant 2 : i32
    %mul3A_0 = arith.muli %arg1, %mul3A : i32
    %add3A = arith.addi %mul3A_0, %arg0 : i32
    %broadcast_in_dim3A = arith.constant 0.000000e+00 : f32
    %broadcast_in_dim3A_1 = vector.broadcast %broadcast_in_dim3A : f32 to vector<16xf32>
    %scan3A = arith.constant 0 : i32
    %scan3A_2 = arith.constant 128 : i32
    %scan3A_3 = arith.addi %scan3A, %scan3A_2 : i32
    %scan3A_4 = arith.constant 1 : i32
    scf.for %scan3A_38 = %scan3A to %scan3A_3 step %scan3A_4  : i32 {
      %swap3A = arith.index_cast %scan3A_38 : i32 to index
      %swap3A_39 = arith.constant 0 : index
      %swap3A_40 = tpu.vector_load %arg8[%swap3A, %swap3A_39] {strides = array<i32>} : memref<128x128xf32, #tpu.memory_space<vmem>>, vector<1x16xf32>,
      %swap3A_41 = vector.shape_cast %swap3A_40 : vector<1x16xf32> to vector<16xf32>
      %swap3A_42 = vector.shape_cast %broadcast_in_dim3A_1 : vector<16xf32> to vector<1x16xf32>
      tpu.vector_store %arg8[%swap3A, %swap3A_39], %swap3A_42 {strides = array<i32>} : memref<128x128xf32, #tpu.memory_space<vmem>>, vector<1x16xf32>,
      %swap3A_43 = arith.index_cast %scan3A_38 : i32 to index
      %swap3A_44 = arith.constant 16 : index
      %swap3A_45 = tpu.vector_load %arg8[%swap3A_43, %swap3A_44] {strides = array<i32>} : memref<128x128xf32, #tpu.memory_space<vmem>>, vector<1x16xf32>,
      %swap3A_46 = vector.shape_cast %swap3A_45 : vector<1x16xf32> to vector<16xf32>
      %swap3A_47 = vector.shape_cast %broadcast_in_dim3A_1 : vector<16xf32> to vector<1x16xf32>
      tpu.vector_store %arg8[%swap3A_43, %swap3A_44], %swap3A_47 {strides = array<i32>} : memref<128x128xf32, #tpu.memory_space<vmem>>, vector<1x16xf32>,
      %swap3A_48 = arith.index_cast %scan3A_38 : i32 to index
      %swap3A_49 = arith.constant 32 : index
      %swap3A_50 = tpu.vector_load %arg8[%swap3A_48, %swap3A_49] {strides = array<i32>} : memref<128x128xf32, #tpu.memory_space<vmem>>, vector<1x16xf32>,
      %swap3A_51 = vector.shape_cast %swap3A_50 : vector<1x16xf32> to vector<16xf32>
      %swap3A_52 = vector.shape_cast %broadcast_in_dim3A_1 : vector<16xf32> to vector<1x16xf32>
      tpu.vector_store %arg8[%swap3A_48, %swap3A_49], %swap3A_52 {strides = array<i32>} : memref<128x128xf32, #tpu.memory_space<vmem>>, vector<1x16xf32>,
      %swap3A_53 = arith.index_cast %scan3A_38 : i32 to index
      %swap3A_54 = arith.constant 48 : index
      %swap3A_55 = tpu.vector_load %arg8[%swap3A_53, %swap3A_54] {strides = array<i32>} : memref<128x128xf32, #tpu.memory_space<vmem>>, vector<1x16xf32>,
      %swap3A_56 = vector.shape_cast %swap3A_55 : vector<1x16xf32> to vector<16xf32>
      %swap3A_57 = vector.shape_cast %broadcast_in_dim3A_1 : vector<16xf32> to vector<1x16xf32>
      tpu.vector_store %arg8[%swap3A_53, %swap3A_54], %swap3A_57 {strides = array<i32>} : memref<128x128xf32, #tpu.memory_space<vmem>>, vector<1x16xf32>,
      %swap3A_58 = arith.index_cast %scan3A_38 : i32 to index
      %swap3A_59 = arith.constant 64 : index
      %swap3A_60 = tpu.vector_load %arg8[%swap3A_58, %swap3A_59] {strides = array<i32>} : memref<128x128xf32, #tpu.memory_space<vmem>>, vector<1x16xf32>,
      %swap3A_61 = vector.shape_cast %swap3A_60 : vector<1x16xf32> to vector<16xf32>
      %swap3A_62 = vector.shape_cast %broadcast_in_dim3A_1 : vector<16xf32> to vector<1x16xf32>
      tpu.vector_store %arg8[%swap3A_58, %swap3A_59], %swap3A_62 {strides = array<i32>} : memref<128x128xf32, #tpu.memory_space<vmem>>, vector<1x16xf32>,
      %swap3A_63 = arith.index_cast %scan3A_38 : i32 to index
      %swap3A_64 = arith.constant 80 : index
      %swap3A_65 = tpu.vector_load %arg8[%swap3A_63, %swap3A_64] {strides = array<i32>} : memref<128x128xf32, #tpu.memory_space<vmem>>, vector<1x16xf32>,
      %swap3A_66 = vector.shape_cast %swap3A_65 : vector<1x16xf32> to vector<16xf32>
      %swap3A_67 = vector.shape_cast %broadcast_in_dim3A_1 : vector<16xf32> to vector<1x16xf32>
      tpu.vector_store %arg8[%swap3A_63, %swap3A_64], %swap3A_67 {strides = array<i32>} : memref<128x128xf32, #tpu.memory_space<vmem>>, vector<1x16xf32>,
      %swap3A_68 = arith.index_cast %scan3A_38 : i32 to index
      %swap3A_69 = arith.constant 96 : index
      %swap3A_70 = tpu.vector_load %arg8[%swap3A_68, %swap3A_69] {strides = array<i32>} : memref<128x128xf32, #tpu.memory_space<vmem>>, vector<1x16xf32>,
      %swap3A_71 = vector.shape_cast %swap3A_70 : vector<1x16xf32> to vector<16xf32>
      %swap3A_72 = vector.shape_cast %broadcast_in_dim3A_1 : vector<16xf32> to vector<1x16xf32>
      tpu.vector_store %arg8[%swap3A_68, %swap3A_69], %swap3A_72 {strides = array<i32>} : memref<128x128xf32, #tpu.memory_space<vmem>>, vector<1x16xf32>,
      %swap3A_73 = arith.index_cast %scan3A_38 : i32 to index
      %swap3A_74 = arith.constant 112 : index
      %swap3A_75 = tpu.vector_load %arg8[%swap3A_73, %swap3A_74] {strides = array<i32>} : memref<128x128xf32, #tpu.memory_space<vmem>>, vector<1x16xf32>,
      %swap3A_76 = vector.shape_cast %swap3A_75 : vector<1x16xf32> to vector<16xf32>
      %swap3A_77 = vector.shape_cast %broadcast_in_dim3A_1 : vector<16xf32> to vector<1x16xf32>
      tpu.vector_store %arg8[%swap3A_73, %swap3A_74], %swap3A_77 {strides = array<i32>} : memref<128x128xf32, #tpu.memory_space<vmem>>, vector<1x16xf32>,
    }
    %scan3A_5 = arith.constant 128 : i32
    %mul3A_6 = arith.constant 640 : i32
    %mul3A_7 = arith.muli %arg1, %mul3A_6 : i32
    %add3A_8 = arith.constant 0 : i32
    %add3A_9 = arith.addi %mul3A_7, %add3A_8 : i32
    "tpu.region"() ({
      %run_scoped3A = tpu.sem_alloc : memref<!tpu.dma_semaphore, #tpu.memory_space<semaphore_mem>>
      %dma_start3A = arith.constant 0 : i32
      %dma_start3A_38 = tpu.memref_slice %arg5[%add3A_9, %dma_start3A] : memref<10240x128xf32, #tpu.memory_space<vmem_shared>> -> memref<128x128xf32, #tpu.memory_space<vmem_shared>>
      %dma_start3A_39 = arith.constant 0 : i32
      %dma_start3A_40 = tpu.memref_slice %arg5[%add3A_9, %dma_start3A_39] : memref<10240x128xf32, #tpu.memory_space<vmem_shared>> -> memref<128x128xf32, #tpu.memory_space<vmem_shared>>
      tpu.enqueue_dma source(%arg8 : memref<128x128xf32, #tpu.memory_space<vmem>>) target(%dma_start3A_40 : memref<128x128xf32, #tpu.memory_space<vmem_shared>>) target_semaphore(%run_scoped3A : memref<!tpu.dma_semaphore, #tpu.memory_space<semaphore_mem>>)
      %dma_wait3A = arith.constant 0 : i32
      %dma_wait3A_41 = tpu.memref_slice %arg5[%add3A_9, %dma_wait3A] : memref<10240x128xf32, #tpu.memory_space<vmem_shared>> -> memref<128x128xf32, #tpu.memory_space<vmem_shared>>
      %dma_wait3A_42 = arith.constant 0 : i32
      %dma_wait3A_43 = tpu.memref_slice %arg5[%add3A_9, %dma_wait3A_42] : memref<10240x128xf32, #tpu.memory_space<vmem_shared>> -> memref<128x128xf32, #tpu.memory_space<vmem_shared>>
      tpu.wait_dma2 semaphore(%run_scoped3A : memref<!tpu.dma_semaphore, #tpu.memory_space<semaphore_mem>>) src(%arg8 : memref<128x128xf32, #tpu.memory_space<vmem>>) dst(%dma_wait3A_43 : memref<128x128xf32, #tpu.memory_space<vmem_shared>>)
      tpu.yield
    }) : () -> ()
    %mul3A_10 = arith.constant 640 : i32
    %mul3A_11 = arith.muli %arg1, %mul3A_10 : i32
    %add3A_12 = arith.constant 128 : i32
    %add3A_13 = arith.addi %mul3A_11, %add3A_12 : i32
    "tpu.region"() ({
      %run_scoped3A = tpu.sem_alloc : memref<!tpu.dma_semaphore, #tpu.memory_space<semaphore_mem>>
      %dma_start3A = arith.constant 0 : i32
      %dma_start3A_38 = tpu.memref_slice %arg5[%add3A_13, %dma_start3A] : memref<10240x128xf32, #tpu.memory_space<vmem_shared>> -> memref<128x128xf32, #tpu.memory_space<vmem_shared>>
      %dma_start3A_39 = arith.constant 0 : i32
      %dma_start3A_40 = tpu.memref_slice %arg5[%add3A_13, %dma_start3A_39] : memref<10240x128xf32, #tpu.memory_space<vmem_shared>> -> memref<128x128xf32, #tpu.memory_space<vmem_shared>>
      tpu.enqueue_dma source(%arg8 : memref<128x128xf32, #tpu.memory_space<vmem>>) target(%dma_start3A_40 : memref<128x128xf32, #tpu.memory_space<vmem_shared>>) target_semaphore(%run_scoped3A : memref<!tpu.dma_semaphore, #tpu.memory_space<semaphore_mem>>)
      %dma_wait3A = arith.constant 0 : i32
      %dma_wait3A_41 = tpu.memref_slice %arg5[%add3A_13, %dma_wait3A] : memref<10240x128xf32, #tpu.memory_space<vmem_shared>> -> memref<128x128xf32, #tpu.memory_space<vmem_shared>>
      %dma_wait3A_42 = arith.constant 0 : i32
      %dma_wait3A_43 = tpu.memref_slice %arg5[%add3A_13, %dma_wait3A_42] : memref<10240x128xf32, #tpu.memory_space<vmem_shared>> -> memref<128x128xf32, #tpu.memory_space<vmem_shared>>
      tpu.wait_dma2 semaphore(%run_scoped3A : memref<!tpu.dma_semaphore, #tpu.memory_space<semaphore_mem>>) src(%arg8 : memref<128x128xf32, #tpu.memory_space<vmem>>) dst(%dma_wait3A_43 : memref<128x128xf32, #tpu.memory_space<vmem_shared>>)
      tpu.yield
    }) : () -> ()
    %mul3A_14 = arith.constant 640 : i32
    %mul3A_15 = arith.muli %arg1, %mul3A_14 : i32
    %add3A_16 = arith.constant 256 : i32
    %add3A_17 = arith.addi %mul3A_15, %add3A_16 : i32
    "tpu.region"() ({
      %run_scoped3A = tpu.sem_alloc : memref<!tpu.dma_semaphore, #tpu.memory_space<semaphore_mem>>
      %dma_start3A = arith.constant 0 : i32
      %dma_start3A_38 = tpu.memref_slice %arg5[%add3A_17, %dma_start3A] : memref<10240x128xf32, #tpu.memory_space<vmem_shared>> -> memref<128x128xf32, #tpu.memory_space<vmem_shared>>
      %dma_start3A_39 = arith.constant 0 : i32
      %dma_start3A_40 = tpu.memref_slice %arg5[%add3A_17, %dma_start3A_39] : memref<10240x128xf32, #tpu.memory_space<vmem_shared>> -> memref<128x128xf32, #tpu.memory_space<vmem_shared>>
      tpu.enqueue_dma source(%arg8 : memref<128x128xf32, #tpu.memory_space<vmem>>) target(%dma_start3A_40 : memref<128x128xf32, #tpu.memory_space<vmem_shared>>) target_semaphore(%run_scoped3A : memref<!tpu.dma_semaphore, #tpu.memory_space<semaphore_mem>>)
      %dma_wait3A = arith.constant 0 : i32
      %dma_wait3A_41 = tpu.memref_slice %arg5[%add3A_17, %dma_wait3A] : memref<10240x128xf32, #tpu.memory_space<vmem_shared>> -> memref<128x128xf32, #tpu.memory_space<vmem_shared>>
      %dma_wait3A_42 = arith.constant 0 : i32
      %dma_wait3A_43 = tpu.memref_slice %arg5[%add3A_17, %dma_wait3A_42] : memref<10240x128xf32, #tpu.memory_space<vmem_shared>> -> memref<128x128xf32, #tpu.memory_space<vmem_shared>>
      tpu.wait_dma2 semaphore(%run_scoped3A : memref<!tpu.dma_semaphore, #tpu.memory_space<semaphore_mem>>) src(%arg8 : memref<128x128xf32, #tpu.memory_space<vmem>>) dst(%dma_wait3A_43 : memref<128x128xf32, #tpu.memory_space<vmem_shared>>)
      tpu.yield
    }) : () -> ()
    %mul3A_18 = arith.constant 640 : i32
    %mul3A_19 = arith.muli %arg1, %mul3A_18 : i32
    %add3A_20 = arith.constant 384 : i32
    %add3A_21 = arith.addi %mul3A_19, %add3A_20 : i32
    "tpu.region"() ({
      %run_scoped3A = tpu.sem_alloc : memref<!tpu.dma_semaphore, #tpu.memory_space<semaphore_mem>>
      %dma_start3A = arith.constant 0 : i32
      %dma_start3A_38 = tpu.memref_slice %arg5[%add3A_21, %dma_start3A] : memref<10240x128xf32, #tpu.memory_space<vmem_shared>> -> memref<128x128xf32, #tpu.memory_space<vmem_shared>>
      %dma_start3A_39 = arith.constant 0 : i32
      %dma_start3A_40 = tpu.memref_slice %arg5[%add3A_21, %dma_start3A_39] : memref<10240x128xf32, #tpu.memory_space<vmem_shared>> -> memref<128x128xf32, #tpu.memory_space<vmem_shared>>
      tpu.enqueue_dma source(%arg8 : memref<128x128xf32, #tpu.memory_space<vmem>>) target(%dma_start3A_40 : memref<128x128xf32, #tpu.memory_space<vmem_shared>>) target_semaphore(%run_scoped3A : memref<!tpu.dma_semaphore, #tpu.memory_space<semaphore_mem>>)
      %dma_wait3A = arith.constant 0 : i32
      %dma_wait3A_41 = tpu.memref_slice %arg5[%add3A_21, %dma_wait3A] : memref<10240x128xf32, #tpu.memory_space<vmem_shared>> -> memref<128x128xf32, #tpu.memory_space<vmem_shared>>
      %dma_wait3A_42 = arith.constant 0 : i32
      %dma_wait3A_43 = tpu.memref_slice %arg5[%add3A_21, %dma_wait3A_42] : memref<10240x128xf32, #tpu.memory_space<vmem_shared>> -> memref<128x128xf32, #tpu.memory_space<vmem_shared>>
      tpu.wait_dma2 semaphore(%run_scoped3A : memref<!tpu.dma_semaphore, #tpu.memory_space<semaphore_mem>>) src(%arg8 : memref<128x128xf32, #tpu.memory_space<vmem>>) dst(%dma_wait3A_43 : memref<128x128xf32, #tpu.memory_space<vmem_shared>>)
      tpu.yield
    }) : () -> ()
    %mul3A_22 = arith.constant 640 : i32
    %mul3A_23 = arith.muli %arg1, %mul3A_22 : i32
    %add3A_24 = arith.constant 512 : i32
    %add3A_25 = arith.addi %mul3A_23, %add3A_24 : i32
    "tpu.region"() ({
      %run_scoped3A = tpu.sem_alloc : memref<!tpu.dma_semaphore, #tpu.memory_space<semaphore_mem>>
      %dma_start3A = arith.constant 0 : i32
      %dma_start3A_38 = tpu.memref_slice %arg5[%add3A_25, %dma_start3A] : memref<10240x128xf32, #tpu.memory_space<vmem_shared>> -> memref<128x128xf32, #tpu.memory_space<vmem_shared>>
      %dma_start3A_39 = arith.constant 0 : i32
      %dma_start3A_40 = tpu.memref_slice %arg5[%add3A_25, %dma_start3A_39] : memref<10240x128xf32, #tpu.memory_space<vmem_shared>> -> memref<128x128xf32, #tpu.memory_space<vmem_shared>>
      tpu.enqueue_dma source(%arg8 : memref<128x128xf32, #tpu.memory_space<vmem>>) target(%dma_start3A_40 : memref<128x128xf32, #tpu.memory_space<vmem_shared>>) target_semaphore(%run_scoped3A : memref<!tpu.dma_semaphore, #tpu.memory_space<semaphore_mem>>)
      %dma_wait3A = arith.constant 0 : i32
      %dma_wait3A_41 = tpu.memref_slice %arg5[%add3A_25, %dma_wait3A] : memref<10240x128xf32, #tpu.memory_space<vmem_shared>> -> memref<128x128xf32, #tpu.memory_space<vmem_shared>>
      %dma_wait3A_42 = arith.constant 0 : i32
      %dma_wait3A_43 = tpu.memref_slice %arg5[%add3A_25, %dma_wait3A_42] : memref<10240x128xf32, #tpu.memory_space<vmem_shared>> -> memref<128x128xf32, #tpu.memory_space<vmem_shared>>
      tpu.wait_dma2 semaphore(%run_scoped3A : memref<!tpu.dma_semaphore, #tpu.memory_space<semaphore_mem>>) src(%arg8 : memref<128x128xf32, #tpu.memory_space<vmem>>) dst(%dma_wait3A_43 : memref<128x128xf32, #tpu.memory_space<vmem_shared>>)
      tpu.yield
    }) : () -> ()
    %barrier3A = arith.constant 0 : index
    tpu.barrier barrier_id(%barrier3A)
    %mul3A_26 = arith.constant 80 : i32
    %mul3A_27 = arith.muli %add3A, %mul3A_26 : i32
    %scan3A_28 = arith.constant 0 : i32
    %scan3A_29 = arith.constant 2 : i32
    %scan3A_30 = arith.addi %scan3A_28, %scan3A_29 : i32
    %scan3A_31 = arith.constant 1 : i32
    scf.for %scan3A_38 = %scan3A_28 to %scan3A_30 step %scan3A_31  : i32 {
      %mul3A_39 = arith.constant 40 : i32
      %mul3A_40 = arith.muli %scan3A_38, %mul3A_39 : i32
      %add3A_41 = arith.addi %mul3A_27, %mul3A_40 : i32
      "tpu.region"() ({
        %run_scoped3A = tpu.sem_alloc : memref<!tpu.dma_semaphore, #tpu.memory_space<semaphore_mem>>
        %dma_start3A_55 = arith.constant 0 : i32
        %dma_start3A_56 = tpu.memref_slice %arg3[%add3A_41, %dma_start3A_55] : memref<5120x128xi32, #tpu.memory_space<hbm>> -> memref<40x128xi32, #tpu.memory_space<hbm>>
        %dma_start3A_57 = arith.constant 0 : i32
        %dma_start3A_58 = tpu.memref_slice %arg3[%add3A_41, %dma_start3A_57] : memref<5120x128xi32, #tpu.memory_space<hbm>> -> memref<40x128xi32, #tpu.memory_space<hbm>>
        tpu.enqueue_dma source(%dma_start3A_58 : memref<40x128xi32, #tpu.memory_space<hbm>>) target(%arg6 : memref<40x128xi32, #tpu.memory_space<vmem>>) target_semaphore(%run_scoped3A : memref<!tpu.dma_semaphore, #tpu.memory_space<semaphore_mem>>)
        %dma_wait3A = arith.constant 0 : i32
        %dma_wait3A_59 = tpu.memref_slice %arg3[%add3A_41, %dma_wait3A] : memref<5120x128xi32, #tpu.memory_space<hbm>> -> memref<40x128xi32, #tpu.memory_space<hbm>>
        %dma_wait3A_60 = arith.constant 0 : i32
        %dma_wait3A_61 = tpu.memref_slice %arg3[%add3A_41, %dma_wait3A_60] : memref<5120x128xi32, #tpu.memory_space<hbm>> -> memref<40x128xi32, #tpu.memory_space<hbm>>
        tpu.wait_dma2 semaphore(%run_scoped3A : memref<!tpu.dma_semaphore, #tpu.memory_space<semaphore_mem>>) src(%dma_wait3A_61 : memref<40x128xi32, #tpu.memory_space<hbm>>) dst(%arg6 : memref<40x128xi32, #tpu.memory_space<vmem>>)
        tpu.yield
      }) : () -> ()
      %add3A_42 = arith.constant 2560 : i32
      %add3A_43 = arith.addi %add3A_42, %add3A_41 : i32
      "tpu.region"() ({
        %run_scoped3A = tpu.sem_alloc : memref<!tpu.dma_semaphore, #tpu.memory_space<semaphore_mem>>
        %dma_start3A_55 = arith.constant 0 : i32
        %dma_start3A_56 = tpu.memref_slice %arg3[%add3A_43, %dma_start3A_55] : memref<5120x128xi32, #tpu.memory_space<hbm>> -> memref<40x128xi32, #tpu.memory_space<hbm>>
        %dma_start3A_57 = arith.constant 0 : i32
        %dma_start3A_58 = tpu.memref_slice %arg3[%add3A_43, %dma_start3A_57] : memref<5120x128xi32, #tpu.memory_space<hbm>> -> memref<40x128xi32, #tpu.memory_space<hbm>>
        tpu.enqueue_dma source(%dma_start3A_58 : memref<40x128xi32, #tpu.memory_space<hbm>>) target(%arg7 : memref<40x128xi32, #tpu.memory_space<vmem>>) target_semaphore(%run_scoped3A : memref<!tpu.dma_semaphore, #tpu.memory_space<semaphore_mem>>)
        %dma_wait3A = arith.constant 0 : i32
        %dma_wait3A_59 = tpu.memref_slice %arg3[%add3A_43, %dma_wait3A] : memref<5120x128xi32, #tpu.memory_space<hbm>> -> memref<40x128xi32, #tpu.memory_space<hbm>>
        %dma_wait3A_60 = arith.constant 0 : i32
        %dma_wait3A_61 = tpu.memref_slice %arg3[%add3A_43, %dma_wait3A_60] : memref<5120x128xi32, #tpu.memory_space<hbm>> -> memref<40x128xi32, #tpu.memory_space<hbm>>
        tpu.wait_dma2 semaphore(%run_scoped3A : memref<!tpu.dma_semaphore, #tpu.memory_space<semaphore_mem>>) src(%dma_wait3A_61 : memref<40x128xi32, #tpu.memory_space<hbm>>) dst(%arg7 : memref<40x128xi32, #tpu.memory_space<vmem>>)
        tpu.yield
      }) : () -> ()
      %dma_start3A = arith.constant 0 : i32
      %dma_start3A_44 = arith.constant 0 : i32
      %dma_start3A_45 = tpu.memref_slice %arg6[%dma_start3A, %dma_start3A_44] : memref<40x128xi32, #tpu.memory_space<vmem>> -> memref<1x128xi32, #tpu.memory_space<vmem>>
      %dma_start3A_46 = tpu.memref_squeeze %dma_start3A_45 : memref<1x128xi32, #tpu.memory_space<vmem>> -> memref<128xi32, #tpu.memory_space<vmem>>
      %dma_start3A_47 = arith.constant 0 : i32
      %dma_start3A_48 = arith.constant 0 : i32
      %dma_start3A_49 = tpu.memref_slice %arg2[%dma_start3A_47, %dma_start3A_48] : memref<10240x128xf32, #tpu.memory_space<hbm>> -> memref<10240x128xf32, #tpu.memory_space<hbm>>
      tpu.enqueue_indirect_dma source(%dma_start3A_49 : memref<10240x128xf32, #tpu.memory_space<hbm>>) target(%arg8 : memref<128x128xf32, #tpu.memory_space<vmem>>) offsets(%dma_start3A_46 : memref<128xi32, #tpu.memory_space<vmem>>) semaphore(%arg10 : memref<!tpu.dma_semaphore, #tpu.memory_space<semaphore_mem>>)
      %scan3A_50 = arith.constant 0 : i32
      %scan3A_51 = arith.constant 20 : i32
      %scan3A_52 = arith.addi %scan3A_50, %scan3A_51 : i32
      %scan3A_53 = arith.constant 1 : i32
      scf.for %scan3A_55 = %scan3A_50 to %scan3A_52 step %scan3A_53  : i32 {
        %mul3A_56 = arith.constant 2 : i32
        %mul3A_57 = arith.muli %mul3A_56, %scan3A_55 : i32
        %add3A_58 = arith.constant 1 : i32
        %add3A_59 = arith.addi %mul3A_57, %add3A_58 : i32
        %dma_start3A_60 = arith.constant 0 : i32
        %dma_start3A_61 = tpu.memref_slice %arg6[%add3A_59, %dma_start3A_60] : memref<40x128xi32, #tpu.memory_space<vmem>> -> memref<1x128xi32, #tpu.memory_space<vmem>>
        %dma_start3A_62 = tpu.memref_squeeze %dma_start3A_61 : memref<1x128xi32, #tpu.memory_space<vmem>> -> memref<128xi32, #tpu.memory_space<vmem>>
        %dma_start3A_63 = arith.constant 0 : i32
        %dma_start3A_64 = arith.constant 0 : i32
        %dma_start3A_65 = tpu.memref_slice %arg2[%dma_start3A_63, %dma_start3A_64] : memref<10240x128xf32, #tpu.memory_space<hbm>> -> memref<10240x128xf32, #tpu.memory_space<hbm>>
        tpu.enqueue_indirect_dma source(%dma_start3A_65 : memref<10240x128xf32, #tpu.memory_space<hbm>>) target(%arg9 : memref<128x128xf32, #tpu.memory_space<vmem>>) offsets(%dma_start3A_62 : memref<128xi32, #tpu.memory_space<vmem>>) semaphore(%arg11 : memref<!tpu.dma_semaphore, #tpu.memory_space<semaphore_mem>>)
        %dma_wait3A = arith.constant 0 : i32
        %dma_wait3A_66 = tpu.memref_slice %arg6[%mul3A_57, %dma_wait3A] : memref<40x128xi32, #tpu.memory_space<vmem>> -> memref<1x128xi32, #tpu.memory_space<vmem>>
        %dma_wait3A_67 = tpu.memref_squeeze %dma_wait3A_66 : memref<1x128xi32, #tpu.memory_space<vmem>> -> memref<128xi32, #tpu.memory_space<vmem>>
        %dma_wait3A_68 = arith.constant 0 : i32
        %dma_wait3A_69 = arith.constant 0 : i32
        %dma_wait3A_70 = tpu.memref_slice %arg2[%dma_wait3A_68, %dma_wait3A_69] : memref<10240x128xf32, #tpu.memory_space<hbm>> -> memref<10240x128xf32, #tpu.memory_space<hbm>>
        tpu.wait_indirect_dma semaphore(%arg10 : memref<!tpu.dma_semaphore, #tpu.memory_space<semaphore_mem>>) src(%dma_wait3A_70 : memref<10240x128xf32, #tpu.memory_space<hbm>>) dst(%arg8 : memref<128x128xf32, #tpu.memory_space<vmem>>)
        "tpu.region"() ({
          %run_scoped3A = tpu.sem_alloc : memref<!tpu.dma_semaphore, #tpu.memory_space<semaphore_mem>>
          %dma_start3A_83 = arith.constant 0 : i32
          %dma_start3A_84 = tpu.memref_slice %arg7[%mul3A_57, %dma_start3A_83] : memref<40x128xi32, #tpu.memory_space<vmem>> -> memref<1x128xi32, #tpu.memory_space<vmem>>
          %dma_start3A_85 = tpu.memref_squeeze %dma_start3A_84 : memref<1x128xi32, #tpu.memory_space<vmem>> -> memref<128xi32, #tpu.memory_space<vmem>>
          %dma_start3A_86 = arith.constant 0 : i32
          %dma_start3A_87 = arith.constant 0 : i32
          %dma_start3A_88 = tpu.memref_slice %arg5[%dma_start3A_86, %dma_start3A_87] : memref<10240x128xf32, #tpu.memory_space<vmem_shared>> -> memref<10240x128xf32, #tpu.memory_space<vmem_shared>>
          tpu.enqueue_indirect_dma source(%arg8 : memref<128x128xf32, #tpu.memory_space<vmem>>) target(%dma_start3A_88 : memref<10240x128xf32, #tpu.memory_space<vmem_shared>>) offsets(%dma_start3A_85 : memref<128xi32, #tpu.memory_space<vmem>>) semaphore(%run_scoped3A : memref<!tpu.dma_semaphore, #tpu.memory_space<semaphore_mem>>) {add = true}
          %dma_wait3A_89 = arith.constant 0 : i32
          %dma_wait3A_90 = tpu.memref_slice %arg7[%mul3A_57, %dma_wait3A_89] : memref<40x128xi32, #tpu.memory_space<vmem>> -> memref<1x128xi32, #tpu.memory_space<vmem>>
          %dma_wait3A_91 = tpu.memref_squeeze %dma_wait3A_90 : memref<1x128xi32, #tpu.memory_space<vmem>> -> memref<128xi32, #tpu.memory_space<vmem>>
          %dma_wait3A_92 = arith.constant 0 : i32
          %dma_wait3A_93 = arith.constant 0 : i32
          %dma_wait3A_94 = tpu.memref_slice %arg5[%dma_wait3A_92, %dma_wait3A_93] : memref<10240x128xf32, #tpu.memory_space<vmem_shared>> -> memref<10240x128xf32, #tpu.memory_space<vmem_shared>>
          tpu.wait_indirect_dma semaphore(%run_scoped3A : memref<!tpu.dma_semaphore, #tpu.memory_space<semaphore_mem>>) src(%arg8 : memref<128x128xf32, #tpu.memory_space<vmem>>) dst(%dma_wait3A_94 : memref<10240x128xf32, #tpu.memory_space<vmem_shared>>)
          tpu.yield
        }) : () -> ()
        %lt3A = arith.constant 19 : i32
        %lt3A_71 = arith.cmpi slt, %scan3A_55, %lt3A : i32
        %convert_element_type3A = arith.extui %lt3A_71 : i1 to i32
        %cond3A = arith.constant 0 : i32
        %cond3A_72 = arith.cmpi ne, %convert_element_type3A, %cond3A : i32
        scf.if %cond3A_72 {
          %add3A_83 = arith.constant 2 : i32
          %add3A_84 = arith.addi %mul3A_57, %add3A_83 : i32
          %dma_start3A_85 = arith.constant 0 : i32
          %dma_start3A_86 = tpu.memref_slice %arg6[%add3A_84, %dma_start3A_85] : memref<40x128xi32, #tpu.memory_space<vmem>> -> memref<1x128xi32, #tpu.memory_space<vmem>>
          %dma_start3A_87 = tpu.memref_squeeze %dma_start3A_86 : memref<1x128xi32, #tpu.memory_space<vmem>> -> memref<128xi32, #tpu.memory_space<vmem>>
          %dma_start3A_88 = arith.constant 0 : i32
          %dma_start3A_89 = arith.constant 0 : i32
          %dma_start3A_90 = tpu.memref_slice %arg2[%dma_start3A_88, %dma_start3A_89] : memref<10240x128xf32, #tpu.memory_space<hbm>> -> memref<10240x128xf32, #tpu.memory_space<hbm>>
          tpu.enqueue_indirect_dma source(%dma_start3A_90 : memref<10240x128xf32, #tpu.memory_space<hbm>>) target(%arg8 : memref<128x128xf32, #tpu.memory_space<vmem>>) offsets(%dma_start3A_87 : memref<128xi32, #tpu.memory_space<vmem>>) semaphore(%arg10 : memref<!tpu.dma_semaphore, #tpu.memory_space<semaphore_mem>>)
        } else {
        }
        %add3A_73 = arith.constant 1 : i32
        %add3A_74 = arith.addi %mul3A_57, %add3A_73 : i32
        %dma_wait3A_75 = arith.constant 0 : i32
        %dma_wait3A_76 = tpu.memref_slice %arg6[%add3A_74, %dma_wait3A_75] : memref<40x128xi32, #tpu.memory_space<vmem>> -> memref<1x128xi32, #tpu.memory_space<vmem>>
        %dma_wait3A_77 = tpu.memref_squeeze %dma_wait3A_76 : memref<1x128xi32, #tpu.memory_space<vmem>> -> memref<128xi32, #tpu.memory_space<vmem>>
        %dma_wait3A_78 = arith.constant 0 : i32
        %dma_wait3A_79 = arith.constant 0 : i32
        %dma_wait3A_80 = tpu.memref_slice %arg2[%dma_wait3A_78, %dma_wait3A_79] : memref<10240x128xf32, #tpu.memory_space<hbm>> -> memref<10240x128xf32, #tpu.memory_space<hbm>>
        tpu.wait_indirect_dma semaphore(%arg11 : memref<!tpu.dma_semaphore, #tpu.memory_space<semaphore_mem>>) src(%dma_wait3A_80 : memref<10240x128xf32, #tpu.memory_space<hbm>>) dst(%arg9 : memref<128x128xf32, #tpu.memory_space<vmem>>)
        %add3A_81 = arith.constant 1 : i32
        %add3A_82 = arith.addi %mul3A_57, %add3A_81 : i32
        "tpu.region"() ({
          %run_scoped3A = tpu.sem_alloc : memref<!tpu.dma_semaphore, #tpu.memory_space<semaphore_mem>>
          %dma_start3A_83 = arith.constant 0 : i32
          %dma_start3A_84 = tpu.memref_slice %arg7[%add3A_82, %dma_start3A_83] : memref<40x128xi32, #tpu.memory_space<vmem>> -> memref<1x128xi32, #tpu.memory_space<vmem>>
          %dma_start3A_85 = tpu.memref_squeeze %dma_start3A_84 : memref<1x128xi32, #tpu.memory_space<vmem>> -> memref<128xi32, #tpu.memory_space<vmem>>
          %dma_start3A_86 = arith.constant 0 : i32
          %dma_start3A_87 = arith.constant 0 : i32
          %dma_start3A_88 = tpu.memref_slice %arg5[%dma_start3A_86, %dma_start3A_87] : memref<10240x128xf32, #tpu.memory_space<vmem_shared>> -> memref<10240x128xf32, #tpu.memory_space<vmem_shared>>
          tpu.enqueue_indirect_dma source(%arg9 : memref<128x128xf32, #tpu.memory_space<vmem>>) target(%dma_start3A_88 : memref<10240x128xf32, #tpu.memory_space<vmem_shared>>) offsets(%dma_start3A_85 : memref<128xi32, #tpu.memory_space<vmem>>) semaphore(%run_scoped3A : memref<!tpu.dma_semaphore, #tpu.memory_space<semaphore_mem>>) {add = true}
          %dma_wait3A_89 = arith.constant 0 : i32
          %dma_wait3A_90 = tpu.memref_slice %arg7[%add3A_82, %dma_wait3A_89] : memref<40x128xi32, #tpu.memory_space<vmem>> -> memref<1x128xi32, #tpu.memory_space<vmem>>
          %dma_wait3A_91 = tpu.memref_squeeze %dma_wait3A_90 : memref<1x128xi32, #tpu.memory_space<vmem>> -> memref<128xi32, #tpu.memory_space<vmem>>
          %dma_wait3A_92 = arith.constant 0 : i32
          %dma_wait3A_93 = arith.constant 0 : i32
          %dma_wait3A_94 = tpu.memref_slice %arg5[%dma_wait3A_92, %dma_wait3A_93] : memref<10240x128xf32, #tpu.memory_space<vmem_shared>> -> memref<10240x128xf32, #tpu.memory_space<vmem_shared>>
          tpu.wait_indirect_dma semaphore(%run_scoped3A : memref<!tpu.dma_semaphore, #tpu.memory_space<semaphore_mem>>) src(%arg9 : memref<128x128xf32, #tpu.memory_space<vmem>>) dst(%dma_wait3A_94 : memref<10240x128xf32, #tpu.memory_space<vmem_shared>>)
          tpu.yield
        }) : () -> ()
      }
      %scan3A_54 = arith.constant 20 : i32
    }
    %scan3A_32 = arith.constant 2 : i32
    %barrier3A_33 = arith.constant 0 : index
    tpu.barrier barrier_id(%barrier3A_33)
    %mul3A_34 = arith.constant 640 : i32
    %mul3A_35 = arith.muli %arg1, %mul3A_34 : i32
    %mul3A_36 = arith.constant 640 : i32
    %mul3A_37 = arith.muli %arg1, %mul3A_36 : i32
    "tpu.region"() ({
      %run_scoped3A = tpu.sem_alloc : memref<!tpu.dma_semaphore, #tpu.memory_space<semaphore_mem>>
      %dma_start3A = arith.constant 0 : i32
      %dma_start3A_38 = tpu.memref_slice %arg4[%arg0, %mul3A_37, %dma_start3A] : memref<2x10240x128xf32, #tpu.memory_space<hbm>> -> memref<1x640x128xf32, #tpu.memory_space<hbm>>
      %dma_start3A_39 = tpu.memref_squeeze %dma_start3A_38 : memref<1x640x128xf32, #tpu.memory_space<hbm>> -> memref<640x128xf32, #tpu.memory_space<hbm>>
      %dma_start3A_40 = arith.constant 0 : i32
      %dma_start3A_41 = tpu.memref_slice %arg5[%mul3A_35, %dma_start3A_40] : memref<10240x128xf32, #tpu.memory_space<vmem_shared>> -> memref<640x128xf32, #tpu.memory_space<vmem_shared>>
      tpu.enqueue_dma source(%dma_start3A_41 : memref<640x128xf32, #tpu.memory_space<vmem_shared>>) target(%dma_start3A_39 : memref<640x128xf32, #tpu.memory_space<hbm>>) target_semaphore(%run_scoped3A : memref<!tpu.dma_semaphore, #tpu.memory_space<semaphore_mem>>)
      %dma_wait3A = arith.constant 0 : i32
      %dma_wait3A_42 = tpu.memref_slice %arg4[%arg0, %mul3A_37, %dma_wait3A] : memref<2x10240x128xf32, #tpu.memory_space<hbm>> -> memref<1x640x128xf32, #tpu.memory_space<hbm>>
      %dma_wait3A_43 = tpu.memref_squeeze %dma_wait3A_42 : memref<1x640x128xf32, #tpu.memory_space<hbm>> -> memref<640x128xf32, #tpu.memory_space<hbm>>
      %dma_wait3A_44 = arith.constant 0 : i32
      %dma_wait3A_45 = tpu.memref_slice %arg5[%mul3A_35, %dma_wait3A_44] : memref<10240x128xf32, #tpu.memory_space<vmem_shared>> -> memref<640x128xf32, #tpu.memory_space<vmem_shared>>
      tpu.wait_dma2 semaphore(%run_scoped3A : memref<!tpu.dma_semaphore, #tpu.memory_space<semaphore_mem>>) src(%dma_wait3A_45 : memref<640x128xf32, #tpu.memory_space<vmem_shared>>) dst(%dma_wait3A_43 : memref<640x128xf32, #tpu.memory_space<hbm>>)
      tpu.yield
    }) : () -> ()
    return
  }
}

module attributes {stable_mosaic.version = 14 : i64} {
  func.func @_tc_prescale_body(%arg0: memref<10000x128xf32, #tpu.memory_space<vmem>>, %arg1: memref<2x10240x1xf32, #tpu.memory_space<vmem>>, %arg2: memref<10240x128xf32, #tpu.memory_space<vmem>>) attributes {dimension_semantics = [], scalar_prefetch = 0 : i64, scratch_operands = 0 : i64, tpu.core_type = #tpu.core_type<tc>} {
    %get3A = arith.constant 0 : index
    %get3A_0 = arith.constant 0 : index
    %get3A_1 = vector.load %arg0[%get3A, %get3A_0] : memref<10000x128xf32, #tpu.memory_space<vmem>>, vector<10000x128xf32>
    %get3A_2 = arith.constant 0 : index
    %get3A_3 = arith.constant 0 : index
    %get3A_4 = arith.constant 0 : index
    %get3A_5 = vector.load %arg1[%get3A_2, %get3A_3, %get3A_4] : memref<2x10240x1xf32, #tpu.memory_space<vmem>>, vector<1x10000x1xf32>
    %get3A_6 = vector.shape_cast %get3A_5 : vector<1x10000x1xf32> to vector<10000x1xf32>
    %gt3A = arith.constant 0.000000e+00 : f32
    %gt3A_7 = vector.broadcast %gt3A : f32 to vector<10000x1xf32>
    %gt3A_8 = arith.cmpf ogt, %get3A_6, %gt3A_7 : vector<10000x1xf32>
    %max3A = arith.constant 1.000000e+00 : f32
    %max3A_9 = vector.broadcast %max3A : f32 to vector<10000x1xf32>
    %max3A_10 = arith.maximumf %get3A_6, %max3A_9 : vector<10000x1xf32>
    %rsqrt3A = math.rsqrt %max3A_10 : vector<10000x1xf32>
    %jit3A = arith.constant 0.000000e+00 : f32
    %broadcast_in_dim3A = vector.broadcast %jit3A : f32 to vector<10000x1xf32>
    %select_n3A = arith.select %gt3A_8, %rsqrt3A, %broadcast_in_dim3A : vector<10000x1xi1>, vector<10000x1xf32>
    %mul3A = vector.broadcast %select_n3A : vector<10000x1xf32> to vector<10000x128xf32>
    %mul3A_11 = arith.mulf %get3A_1, %mul3A : vector<10000x128xf32>
    %swap3A = arith.constant 0 : index
    %swap3A_12 = arith.constant 0 : index
    %swap3A_13 = vector.load %arg2[%swap3A, %swap3A_12] : memref<10240x128xf32, #tpu.memory_space<vmem>>, vector<10000x128xf32>
    tpu.vector_store %arg2[%swap3A, %swap3A_12], %mul3A_11 {strides = array<i32>} : memref<10240x128xf32, #tpu.memory_space<vmem>>, vector<10000x128xf32>,
    %broadcast_in_dim3A_14 = arith.constant 0.000000e+00 : f32
    %broadcast_in_dim3A_15 = vector.broadcast %broadcast_in_dim3A_14 : f32 to vector<240x128xf32>
    %swap3A_16 = arith.constant 10000 : index
    %swap3A_17 = arith.constant 0 : index
    %swap3A_18 = vector.load %arg2[%swap3A_16, %swap3A_17] : memref<10240x128xf32, #tpu.memory_space<vmem>>, vector<240x128xf32>
    tpu.vector_store %arg2[%swap3A_16, %swap3A_17], %broadcast_in_dim3A_15 {strides = array<i32>} : memref<10240x128xf32, #tpu.memory_space<vmem>>, vector<240x128xf32>,
    return
  }
}

module attributes {stable_mosaic.version = 14 : i64} {
  func.func @_tc_layer1_body(%arg0: memref<2x10240x128xf32, #tpu.memory_space<vmem>>, %arg1: memref<2x10240x1xf32, #tpu.memory_space<vmem>>, %arg2: memref<128x128xf32, #tpu.memory_space<vmem>>, %arg3: memref<1x128xf32, #tpu.memory_space<vmem>>, %arg4: memref<128x128xf32, #tpu.memory_space<vmem>>, %arg5: memref<128x40xf32, #tpu.memory_space<vmem>>, %arg6: memref<10240x64xf32, #tpu.memory_space<vmem>>) attributes {dimension_semantics = [], scalar_prefetch = 0 : i64, scratch_operands = 0 : i64, tpu.core_type = #tpu.core_type<tc>} {
    %get3A = arith.constant 0 : index
    %get3A_0 = arith.constant 0 : index
    %get3A_1 = arith.constant 0 : index
    %get3A_2 = vector.load %arg0[%get3A, %get3A_0, %get3A_1] : memref<2x10240x128xf32, #tpu.memory_space<vmem>>, vector<1x10000x128xf32>
    %get3A_3 = vector.shape_cast %get3A_2 : vector<1x10000x128xf32> to vector<10000x128xf32>
    %get3A_4 = arith.constant 1 : index
    %get3A_5 = arith.constant 0 : index
    %get3A_6 = arith.constant 0 : index
    %get3A_7 = vector.load %arg0[%get3A_4, %get3A_5, %get3A_6] : memref<2x10240x128xf32, #tpu.memory_space<vmem>>, vector<1x10000x128xf32>
    %get3A_8 = vector.shape_cast %get3A_7 : vector<1x10000x128xf32> to vector<10000x128xf32>
    %add3A = arith.addf %get3A_3, %get3A_8 : vector<10000x128xf32>
    %get3A_9 = arith.constant 1 : index
    %get3A_10 = arith.constant 0 : index
    %get3A_11 = arith.constant 0 : index
    %get3A_12 = vector.load %arg1[%get3A_9, %get3A_10, %get3A_11] : memref<2x10240x1xf32, #tpu.memory_space<vmem>>, vector<1x10000x1xf32>
    %get3A_13 = vector.shape_cast %get3A_12 : vector<1x10000x1xf32> to vector<10000x1xf32>
    %gt3A = arith.constant 0.000000e+00 : f32
    %gt3A_14 = vector.broadcast %gt3A : f32 to vector<10000x1xf32>
    %gt3A_15 = arith.cmpf ogt, %get3A_13, %gt3A_14 : vector<10000x1xf32>
    %max3A = arith.constant 1.000000e+00 : f32
    %max3A_16 = vector.broadcast %max3A : f32 to vector<10000x1xf32>
    %max3A_17 = arith.maximumf %get3A_13, %max3A_16 : vector<10000x1xf32>
    %rsqrt3A = math.rsqrt %max3A_17 : vector<10000x1xf32>
    %jit3A = arith.constant 0.000000e+00 : f32
    %broadcast_in_dim3A = vector.broadcast %jit3A : f32 to vector<10000x1xf32>
    %select_n3A = arith.select %gt3A_15, %rsqrt3A, %broadcast_in_dim3A : vector<10000x1xi1>, vector<10000x1xf32>
    %mul3A = vector.broadcast %select_n3A : vector<10000x1xf32> to vector<10000x128xf32>
    %mul3A_18 = arith.mulf %add3A, %mul3A : vector<10000x128xf32>
    %get3A_19 = arith.constant 0 : index
    %get3A_20 = arith.constant 0 : index
    %get3A_21 = vector.load %arg2[%get3A_19, %get3A_20] : memref<128x128xf32, #tpu.memory_space<vmem>>, vector<128x128xf32>
    %dot_general3A = arith.constant dense<0.000000e+00> : vector<10000x128xf32>
    %dot_general3A_22 = tpu.matmul %mul3A_18, %get3A_21, %dot_general3A {dimension_numbers = #tpu.dot_dimension_numbers<[1], [0], [0], [1], [0, 0, 1, 1], [], []>, transpose_lhs_hint = false} : vector<10000x128xf32>, vector<128x128xf32>, vector<10000x128xf32> -> vector<10000x128xf32>
    %get3A_23 = arith.constant 0 : index
    %get3A_24 = arith.constant 0 : index
    %get3A_25 = vector.load %arg3[%get3A_23, %get3A_24] : memref<1x128xf32, #tpu.memory_space<vmem>>, vector<1x128xf32>
    %add3A_26 = vector.broadcast %get3A_25 : vector<1x128xf32> to vector<10000x128xf32>
    %add3A_27 = arith.addf %dot_general3A_22, %add3A_26 : vector<10000x128xf32>
    %max3A_28 = arith.constant 0.000000e+00 : f32
    %max3A_29 = vector.broadcast %max3A_28 : f32 to vector<10000x128xf32>
    %max3A_30 = arith.maximumf %add3A_27, %max3A_29 : vector<10000x128xf32>
    %get3A_31 = arith.constant 0 : index
    %get3A_32 = arith.constant 0 : index
    %get3A_33 = arith.constant 0 : index
    %get3A_34 = vector.load %arg1[%get3A_31, %get3A_32, %get3A_33] : memref<2x10240x1xf32, #tpu.memory_space<vmem>>, vector<1x10000x1xf32>
    %get3A_35 = vector.shape_cast %get3A_34 : vector<1x10000x1xf32> to vector<10000x1xf32>
    %gt3A_36 = arith.constant 0.000000e+00 : f32
    %gt3A_37 = vector.broadcast %gt3A_36 : f32 to vector<10000x1xf32>
    %gt3A_38 = arith.cmpf ogt, %get3A_35, %gt3A_37 : vector<10000x1xf32>
    %max3A_39 = arith.constant 1.000000e+00 : f32
    %max3A_40 = vector.broadcast %max3A_39 : f32 to vector<10000x1xf32>
    %max3A_41 = arith.maximumf %get3A_35, %max3A_40 : vector<10000x1xf32>
    %rsqrt3A_42 = math.rsqrt %max3A_41 : vector<10000x1xf32>
    %jit3A_43 = arith.constant 0.000000e+00 : f32
    %broadcast_in_dim3A_44 = vector.broadcast %jit3A_43 : f32 to vector<10000x1xf32>
    %select_n3A_45 = arith.select %gt3A_38, %rsqrt3A_42, %broadcast_in_dim3A_44 : vector<10000x1xi1>, vector<10000x1xf32>
    %mul3A_46 = vector.broadcast %select_n3A_45 : vector<10000x1xf32> to vector<10000x128xf32>
    %mul3A_47 = arith.mulf %max3A_30, %mul3A_46 : vector<10000x128xf32>
    %get3A_48 = arith.constant 0 : index
    %get3A_49 = arith.constant 0 : index
    %get3A_50 = vector.load %arg4[%get3A_48, %get3A_49] : memref<128x128xf32, #tpu.memory_space<vmem>>, vector<128x128xf32>
    %get3A_51 = arith.constant 0 : index
    %get3A_52 = arith.constant 0 : index
    %get3A_53 = vector.load %arg5[%get3A_51, %get3A_52] : memref<128x40xf32, #tpu.memory_space<vmem>>, vector<128x40xf32>
    %dot_general3A_54 = arith.constant dense<0.000000e+00> : vector<128x40xf32>
    %dot_general3A_55 = tpu.matmul %get3A_50, %get3A_53, %dot_general3A_54 {dimension_numbers = #tpu.dot_dimension_numbers<[1], [0], [0], [1], [0, 0, 1, 1], [], []>, transpose_lhs_hint = false} : vector<128x128xf32>, vector<128x40xf32>, vector<128x40xf32> -> vector<128x40xf32>
    %broadcast_in_dim3A_56 = arith.constant 0.000000e+00 : f32
    %broadcast_in_dim3A_57 = vector.broadcast %broadcast_in_dim3A_56 : f32 to vector<128x24xf32>
    %concatenate3A = tpu.concatenate %dot_general3A_55, %broadcast_in_dim3A_57 in 1 : vector<128x40xf32>, vector<128x24xf32> -> vector<128x64xf32>
    %dot_general3A_58 = arith.constant dense<0.000000e+00> : vector<10000x64xf32>
    %dot_general3A_59 = tpu.matmul %mul3A_47, %concatenate3A, %dot_general3A_58 {dimension_numbers = #tpu.dot_dimension_numbers<[1], [0], [0], [1], [0, 0, 1, 1], [], []>, transpose_lhs_hint = false} : vector<10000x128xf32>, vector<128x64xf32>, vector<10000x64xf32> -> vector<10000x64xf32>
    %swap3A = arith.constant 0 : index
    %swap3A_60 = arith.constant 0 : index
    %swap3A_61 = vector.load %arg6[%swap3A, %swap3A_60] : memref<10240x64xf32, #tpu.memory_space<vmem>>, vector<10000x64xf32>
    tpu.vector_store %arg6[%swap3A, %swap3A_60], %dot_general3A_59 {strides = array<i32>} : memref<10240x64xf32, #tpu.memory_space<vmem>>, vector<10000x64xf32>,
    %broadcast_in_dim3A_62 = arith.constant 0.000000e+00 : f32
    %broadcast_in_dim3A_63 = vector.broadcast %broadcast_in_dim3A_62 : f32 to vector<240x64xf32>
    %swap3A_64 = arith.constant 10000 : index
    %swap3A_65 = arith.constant 0 : index
    %swap3A_66 = vector.load %arg6[%swap3A_64, %swap3A_65] : memref<10240x64xf32, #tpu.memory_space<vmem>>, vector<240x64xf32>
    tpu.vector_store %arg6[%swap3A_64, %swap3A_65], %broadcast_in_dim3A_63 {strides = array<i32>} : memref<10240x64xf32, #tpu.memory_space<vmem>>, vector<240x64xf32>,
    return
  }
}

module attributes {stable_mosaic.version = 14 : i64} {
  func.func @_tc_final_body(%arg0: memref<2x10240x64xf32, #tpu.memory_space<vmem>>, %arg1: memref<2x10240x1xf32, #tpu.memory_space<vmem>>, %arg2: memref<1x128xf32, #tpu.memory_space<vmem>>, %arg3: memref<128x40xf32, #tpu.memory_space<vmem>>, %arg4: memref<1x40xf32, #tpu.memory_space<vmem>>, %arg5: memref<10000x40xf32, #tpu.memory_space<vmem>>) attributes {dimension_semantics = [], scalar_prefetch = 0 : i64, scratch_operands = 0 : i64, tpu.core_type = #tpu.core_type<tc>} {
    %get3A = arith.constant 0 : index
    %get3A_0 = arith.constant 0 : index
    %get3A_1 = arith.constant 0 : index
    %get3A_2 = vector.load %arg0[%get3A, %get3A_0, %get3A_1] : memref<2x10240x64xf32, #tpu.memory_space<vmem>>, vector<1x10000x40xf32>
    %get3A_3 = vector.shape_cast %get3A_2 : vector<1x10000x40xf32> to vector<10000x40xf32>
    %get3A_4 = arith.constant 1 : index
    %get3A_5 = arith.constant 0 : index
    %get3A_6 = arith.constant 0 : index
    %get3A_7 = vector.load %arg0[%get3A_4, %get3A_5, %get3A_6] : memref<2x10240x64xf32, #tpu.memory_space<vmem>>, vector<1x10000x40xf32>
    %get3A_8 = vector.shape_cast %get3A_7 : vector<1x10000x40xf32> to vector<10000x40xf32>
    %add3A = arith.addf %get3A_3, %get3A_8 : vector<10000x40xf32>
    %get3A_9 = arith.constant 1 : index
    %get3A_10 = arith.constant 0 : index
    %get3A_11 = arith.constant 0 : index
    %get3A_12 = vector.load %arg1[%get3A_9, %get3A_10, %get3A_11] : memref<2x10240x1xf32, #tpu.memory_space<vmem>>, vector<1x10000x1xf32>
    %get3A_13 = vector.shape_cast %get3A_12 : vector<1x10000x1xf32> to vector<10000x1xf32>
    %gt3A = arith.constant 0.000000e+00 : f32
    %gt3A_14 = vector.broadcast %gt3A : f32 to vector<10000x1xf32>
    %gt3A_15 = arith.cmpf ogt, %get3A_13, %gt3A_14 : vector<10000x1xf32>
    %max3A = arith.constant 1.000000e+00 : f32
    %max3A_16 = vector.broadcast %max3A : f32 to vector<10000x1xf32>
    %max3A_17 = arith.maximumf %get3A_13, %max3A_16 : vector<10000x1xf32>
    %rsqrt3A = math.rsqrt %max3A_17 : vector<10000x1xf32>
    %jit3A = arith.constant 0.000000e+00 : f32
    %broadcast_in_dim3A = vector.broadcast %jit3A : f32 to vector<10000x1xf32>
    %select_n3A = arith.select %gt3A_15, %rsqrt3A, %broadcast_in_dim3A : vector<10000x1xi1>, vector<10000x1xf32>
    %mul3A = vector.broadcast %select_n3A : vector<10000x1xf32> to vector<10000x40xf32>
    %mul3A_18 = arith.mulf %add3A, %mul3A : vector<10000x40xf32>
    %get3A_19 = arith.constant 0 : index
    %get3A_20 = arith.constant 0 : index
    %get3A_21 = vector.load %arg2[%get3A_19, %get3A_20] : memref<1x128xf32, #tpu.memory_space<vmem>>, vector<1x128xf32>
    %get3A_22 = arith.constant 0 : index
    %get3A_23 = arith.constant 0 : index
    %get3A_24 = vector.load %arg3[%get3A_22, %get3A_23] : memref<128x40xf32, #tpu.memory_space<vmem>>, vector<128x40xf32>
    %dot_general3A = arith.constant dense<0.000000e+00> : vector<1x40xf32>
    %dot_general3A_25 = tpu.matmul %get3A_21, %get3A_24, %dot_general3A {dimension_numbers = #tpu.dot_dimension_numbers<[1], [0], [0], [1], [0, 0, 1, 1], [], []>, transpose_lhs_hint = false} : vector<1x128xf32>, vector<128x40xf32>, vector<1x40xf32> -> vector<1x40xf32>
    %add3A_26 = vector.broadcast %dot_general3A_25 : vector<1x40xf32> to vector<10000x40xf32>
    %add3A_27 = arith.addf %mul3A_18, %add3A_26 : vector<10000x40xf32>
    %get3A_28 = arith.constant 0 : index
    %get3A_29 = arith.constant 0 : index
    %get3A_30 = vector.load %arg4[%get3A_28, %get3A_29] : memref<1x40xf32, #tpu.memory_space<vmem>>, vector<1x40xf32>
    %add3A_31 = vector.broadcast %get3A_30 : vector<1x40xf32> to vector<10000x40xf32>
    %add3A_32 = arith.addf %add3A_27, %add3A_31 : vector<10000x40xf32>
    %swap3A = arith.constant 0 : index
    %swap3A_33 = arith.constant 0 : index
    %swap3A_34 = vector.load %arg5[%swap3A, %swap3A_33] : memref<10000x40xf32, #tpu.memory_space<vmem>>, vector<10000x40xf32>
    tpu.vector_store %arg5[%swap3A, %swap3A_33], %add3A_32 {strides = array<i32>} : memref<10000x40xf32, #tpu.memory_space<vmem>>, vector<10000x40xf32>,
    return
  }
}

</mosaic_0001>

<sc_bundles>
// kernel: kernel.11.cloned.1.call-start
scs
__scs_entry_jumppad:
0x0: {  	(pc) =	sbr.rel $0x88, $3  }
0x1: {  	(tag) =	ssettag $0x0;
	lr =	simm.s32 $0x1  }
0x2: {  	[smem:$0x3F99] =	sst lr;
	_ =	strace $0xD0000000  }
0x3: {  	_ = 	snop  }
0x4: {  	_ = 	snop  }
0x5: {  	_ = 	snop  }
0x6: {  	_ = 	snop  }
0x7: {  	_ = 	snop  }
__scs_overlays_trampoline_lowered:
0x8: {  	[smem:$0x3FA8] =	sst s0  }
0x9: {  	[smem:$0x3FA9] =	sst s1  }
0xa: {  	[smem:$0x3FAA] =	sst s2  }
0xb: {  	[smem:$0x3FAB] =	sst s3  }
0xc: {  	[smem:$0x3FAC] =	sst s4  }
0xd: {  	[smem:$0x3FAD] =	sst s5  }
0xe: {  	[smem:$0x3FAE] =	sst s6  }
0xf: {  	[smem:$0x3FAF] =	sst s7  }
0x10: {  	[smem:$0x3FB0] =	sst s8  }
0x11: {  	[smem:$0x3FB1] =	sst s9;
	s0 =	simm.s32 @!p0 $0x0  }
0x12: {  	s1 =	sld [smem:$0x3F97];
	s0 =	simm.s32 @p0 $0x1  }
0x13: {  	[smem:$0x3FB2] =	sst s0;
	s0 =	simm.s32 @!p1 $0x0  }
0x14: {  	s2 =	sld [smem:$0x3F96];
	s0 =	simm.s32 @p1 $0x1  }
0x15: {  	[smem:$0x3FB3] =	sst s0;
	s0 =	simm.s32 @!p2 $0x0  }
0x16: {  	s3 =	sld [smem:$0x3FDB];
	s0 =	simm.s32 @p2 $0x1  }
0x17: {  	s4 =	simm.s32 $0x1BF5;
	[smem:$0x3FB5] =	sst s0  }
0x18: {  	s0 =	sld [smem:$0x3F98];
	_ =	swait.ge [sflag:s4], $0x0  }
0x19: {  	s7 =	sld [smem:$0x3F99]  }
0x1a: {  	s8 =	sadd.s32 $0xFFFFE003, lr  }
0x1b: {  	s9 =	sadd.s32 $0xFFFFFEF7, lr;
	s5 =	simm.s32 $0xFFFFFFFF;
	p2 =	slt.u32 s8, $0xFFFFF086  }
0x1c: {  	p1 =	slt.u32 s9, $0xF7A;
	s5 =	simm.s32 @!p2 $0x0  }
0x1d: {  	s5 =	simm.s32 @p1 $0x1;
	p0 =	seq.s32 s7, s2  }
0x1e: {  	s7 =	smul.u32 @!p0 $0xF7A, s2;
	p2 =	seq.s32 @!p0 s5, $0x0  }
0x1f: {  	s9 =	smul.u32 $0xF7A, s1;
	s8 =	simm.s32 @!p0 $0x1BF5;
	p2 =	por !p2, p0  }
0x20: {  	[sflag:s8] =	ssyncset.s32 @!p0 $0xFFFFF086;
	s6 =	sadd.s32 @!p0 s3, s7;
	s7 =	simm.s32 @!p0 $0x108  }
0x21: {  	s3 =	sadd.s32 s3, s9;
	s6 =	sadd.s32 @!p0 $0x88, s6;
	s7 =	simm.s32 @p2 $0x1082  }
0x22: {  	[simem:s7], [sflag:s8] =	dma.local @!p0 [hbm:s6], $0xF7A  }
0x23: {  	s9 =	sor.u32 $0xD0000000, s2;
	s6 =	simm.s32 $0x108;
	_ =	swait.ge @!p0 [sflag:s8], $0x0  }
0x24: {  	s3 =	sadd.s32 $0x88, s3;
	s6 =	simm.s32 @!p1 $0x1082;
	[sflag:s4] =	ssyncset.s32 $0xFFFFF086  }
0x25: {  	[simem:s6], [sflag:s4] =	dma.local [hbm:s3], $0xF7A  }
0x26: {  	[smem:$0x3F99] =	sst s1;
	(tag) =	ssettag s2;
	_ =	strace s9  }
0x27: {  	s1 =	sld [smem:$0x3FA9]  }
0x28: {  	s2 =	sld [smem:$0x3FAA]  }
0x29: {  	s4 =	sld [smem:$0x3FAC]  }
0x2a: {  	p0 =	seq.s32 s5, $0x0;
	s5 =	sld [smem:$0x3FAD]  }
0x2b: {  	s6 =	sld [smem:$0x3FAE]  }
0x2c: {  	s7 =	sld [smem:$0x3FAF]  }
0x2d: {  	s3 =	simm.s32 $0x108;
	s8 =	sld [smem:$0x3FB0]  }
0x2e: {  	s3 =	simm.s32 @!p0 $0x1082;
	s9 =	sld [smem:$0x3FB1]  }
0x2f: {  	lr =	sadd.s32 s0, s3;
	s0 =	sld [smem:$0x3FA8]  }
0x30: {  	s3 =	sld [smem:$0x3FAB]  }
0x31: {  	[smem:$0x3FB4] =	sst s10  }
0x32: {  	s10 =	sld [smem:$0x3FB2];
	_ =	sdelay $0x3  }
0x33: {  	p0 =	seq.s32 s10, $0x1;
	s10 =	sld [smem:$0x3FB4];
	_ =	sdelay $0x3  }
0x34: {  	[smem:$0x3FB4] =	sst s10  }
0x35: {  	s10 =	sld [smem:$0x3FB3];
	_ =	sdelay $0x3  }
0x36: {  	p1 =	seq.s32 s10, $0x1;
	s10 =	sld [smem:$0x3FB4];
	_ =	sdelay $0x3  }
0x37: {  	[smem:$0x3FB4] =	sst s10  }
0x38: {  	s10 =	sld [smem:$0x3FB5]  }
0x39: {  	_ = 	snop;
	(pc) =	sbr.ind lr, $3  }
0x3a: {  	_ = 	snop  }
0x3b: {  	_ = 	snop  }
0x3c: {  	p2 =	seq.s32 s10, $0x1;
	s10 =	sld [smem:$0x3FB4]  }
0x3d: {  	_ =	shalt  }
0x3e: {  	_ =	shalt  }
0x3f: {  	_ =	shalt  }
0x40: {  	_ =	shalt  }
0x41: {  	_ =	shalt  }
0x42: {  	_ =	shalt  }
0x43: {  	_ =	shalt  }
0x44: {  	_ =	shalt  }
0x45: {  	_ =	shalt  }
0x46: {  	_ =	shalt  }
0x47: {  	_ =	shalt  }
0x48: {  	_ =	shalt  }
0x49: {  	_ =	shalt  }
0x4a: {  	_ =	shalt  }
0x4b: {  	_ =	shalt  }
0x4c: {  	_ =	shalt  }
0x4d: {  	_ =	shalt  }
0x4e: {  	_ =	shalt  }
0x4f: {  	_ =	shalt  }
0x50: {  	_ =	shalt  }
0x51: {  	_ =	shalt  }
0x52: {  	_ =	shalt  }
0x53: {  	_ =	shalt  }
0x54: {  	_ =	shalt  }
0x55: {  	_ =	shalt  }
0x56: {  	_ =	shalt  }
0x57: {  	_ =	shalt  }
0x58: {  	_ =	shalt  }
0x59: {  	_ =	shalt  }
0x5a: {  	_ =	shalt  }
0x5b: {  	_ =	shalt  }
0x5c: {  	_ =	shalt  }
0x5d: {  	_ =	shalt  }
0x5e: {  	_ =	shalt  }
0x5f: {  	_ =	shalt  }
0x60: {  	_ =	shalt  }
0x61: {  	_ =	shalt  }
0x62: {  	_ =	shalt  }
0x63: {  	_ =	shalt  }
0x64: {  	_ =	shalt  }
0x65: {  	_ =	shalt  }
0x66: {  	_ =	shalt  }
0x67: {  	_ =	shalt  }
0x68: {  	_ =	shalt  }
0x69: {  	_ =	shalt  }
0x6a: {  	_ =	shalt  }
0x6b: {  	_ =	shalt  }
0x6c: {  	_ =	shalt  }
0x6d: {  	_ =	shalt  }
0x6e: {  	_ =	shalt  }
0x6f: {  	_ =	shalt  }
0x70: {  	_ =	shalt  }
0x71: {  	_ =	shalt  }
0x72: {  	_ =	shalt  }
0x73: {  	_ =	shalt  }
0x74: {  	_ =	shalt  }
0x75: {  	_ =	shalt  }
0x76: {  	_ =	shalt  }
0x77: {  	_ =	shalt  }
0x78: {  	_ =	shalt  }
0x79: {  	_ =	shalt  }
0x7a: {  	_ =	shalt  }
0x7b: {  	_ =	shalt  }
0x7c: {  	_ =	shalt  }
0x7d: {  	_ =	shalt  }
0x7e: {  	_ =	shalt  }
0x7f: {  	_ =	shalt  }
0x80: {  	_ =	shalt  }
0x81: {  	_ =	shalt  }
0x82: {  	_ =	shalt  }
0x83: {  	_ =	shalt  }
0x84: {  	_ =	shalt  }
0x85: {  	_ =	shalt  }
0x86: {  	_ =	shalt  }
0x87: {  	_ =	shalt  }
.Lfunc_end0:
.L_simem_size_0:
called_computation.1_lowered:
.L_overlay_start_0:
0x88: {  	s2 =	sld [smem:$0x3FD9]  }
0x89: {  	s3 =	sld [smem:$0x3FFE];
	_ =	sdelay $0x1  }
0x8a: {  	s1 =	srdreg.scid  }
0x8b: {  	s0 =	sand.u32 $0x1, s1  }
0x8c: {  	s16 =	sshll.u32 s0, $0xA;
	s2 =	sadd.s32 s3, s2  }
0x8d: {  	s2 =	sadd.s32 s2, s16  }
0x8e: {  	[smem:$0x3FC0] =	sst s2  }
0x8f: {  	_ = 	snop  }
0x90: {  	(tm) =	ssettm $0x1  }
0x91: {  	s17 =	sld [smem:$0x3FFB];
	_ =	sdelay $0x3  }
0x92: {  	_ =	strace s17  }
0x93: {  	s2 =	sld [smem:$0x3FFC];
	_ =	sdelay $0x3  }
0x94: {  	_ =	strace s2  }
0x95: {  	s2 =	sld [smem:$0x3FFD];
	_ =	sdelay $0x3  }
0x96: {  	_ =	strace s2  }
0x97: {  	_ =	strace $0x8FFFFFFF  }
0x98: {  	s18 =	sld [smem:$0x3FDB];
	_ =	sdelay $0x1  }
0x99: {  	s19 =	simm.s32 $_scs_section_size  }
0x9a: {  	s4 =	simm.s32 $_size__tile_overlayer_lowered;
	s5 =	simm.s32 $_tile_overlayer_lowered  }
0x9b: {  	s22 =	simm.s32 $0x1BFF;
	s21 =	sshll.u32 s5, $0x1;
	s2 =	sadd.s32 s19, s18  }
0x9c: {  	s6 =	simm.s32 $0x0;
	s20 =	sshll.u32 s4, $0x1;
	s4 =	sadd.s32 s21, s2  }
0x9d: {  	[timem:s6], [sflag:s22] =	dma.local [hbm:s4], s20  }
0x9e: {  	_ =	swait.ge [sflag:s22], s20  }
0x9f: {  	s3 =	ssub.s32 $0x0, s20;
	[sflag:s22] =	ssyncset.done $0x0  }
0xa0: {  	[sflag:s22] =	ssyncadd.s32 s3;
	_ =	sdelay $0x1  }
0xa1: {  	s23 =	simm.s32 $0x1B8B  }
0xa2: {  	_ =	swait.ge [sflag:s23], $0x1  }
0xa3: {  	[sflag:s23] =	ssyncset.done $0x0  }
0xa4: {  	s25 =	simm.s32 $0x1B8E;
	s24 =	sld [smem:$0x3FFE];
	[sflag:s23] =	ssyncadd.s32 $0xFFFFFFFF  }
0xa5: {  	s26 =	simm.s32 $execute0_lowered;
	[smem:$0x3FD2] =	sst s25  }
0xa6: {  	s4 =	sshll.u32 s26, $0x1;
	_ =	strace $0x80000049;
	[dreg:$0x1] =	wrdreg $0xFFFFFFFF  }
0xa7: {  	s28 =	simm.s32 $_size_execute0_lowered;
	s2 =	sadd.s32 s2, s4;
	[dreg:$0x0] =	wrdreg $0x0  }
0xa8: {  	s4 =	sshll.u32 s28, $0x1;
	[dreg:$0x2] =	wrdreg s2  }
0xa9: {  	[dreg:$0x3] =	wrdreg s4  }
0xaa: {  	[dreg:$0x4] =	wrdreg $0xC0  }
0xab: {  	_ =	task [dreg:s6], $0x5FFFF  }
0xac: {  	[dreg:$0x1] =	wrdreg $0xFFFFFFFF  }
0xad: {  	[dreg:$0x0] =	wrdreg $0x60  }
0xae: {  	[dreg:$0x2] =	wrdreg s24  }
0xaf: {  	[dreg:$0x3] =	wrdreg $0x0  }
0xb0: {  	[dreg:$0x4] =	wrdreg $0x9  }
0xb1: {  	_ =	task.clear_ibuf [dreg:s6], $0x5FFFF;
	_ =	strace $0x90000049  }
0xb2: {  	s29 =	simm.s32 $0x9;
	_ =	strace $0x8000004B  }
0xb3: {  	_ =	swait.ge [sflag:s29], $0x1  }
0xb4: {  	[sflag:s29] =	ssyncadd.s32 $0xFFFFFFFF  }
0xb5: {  	_ =	strace $0x9000004B  }
0xb6: {  	_ =	sfence  }
0xb7: {  	s30 =	sld [smem:$0x0];
	_ =	sdelay $0x2  }
0xb8: {  	s31 =	sshll.u32 s1, $0xD;
	s1 =	sshrl.u32 s1, $0x2  }
0xb9: {  	s3 =	sand.u32 $0x4000, s31;
	s1 =	sadd.s32 s1, s30  }
0xba: {  	s0 =	sor.u32 s3, s0;
	s1 =	sshll.u32 s1, $0x11  }
0xbb: {  	s0 =	sor.u32 s1, s0  }
0xbc: {  	s0 =	sadd.s32 $0x8F2B, s0  }
0xbd: {  	[sflag:s0] =	ssyncadd.remote.s32 $0x1  }
0xbe: {  	_ =	sfence.sel $0xFFFF  }
0xbf: {  	[dreg:$0x0] =	wrdreg $0xFFFFFFFF;
	(pc) =	sbr.abs _section_cstart, $3  }
0xc0: {  	[dreg:$0x1] =	wrdreg $0xFFFFFFFF  }
0xc1: {  	_ =	task.clear_ibuf [dreg:s6], $0x2FFFF;
	_ =	strace $0x9FFFFFFF  }
0xc2: {  	(tm) =	ssettm $0x7FFFFFFF  }
0xc3: {  	_ =	shalt  }
tec
execute0_lowered:
.L_overlay_start_1:
0x0: {  	(tag) =	ssettag $0x1  }
0x1: {  	s10 =	rddreg [dreg:$0x0];
	s0 =	srdreg.scid  }
0x2: {  	s2 =	rddreg [dreg:$0x1];
	s1 =	stileid.u32;
	s3 =	simm.s32 $0x0  }
0x3: {  	s17 =	simm.s32 $0x3;
	s18 =	simm.s32 $0x14000;
	s19 =	simm.s32 $0x15400  }
0x4: {  	s20 =	simm.s32 $0x80;
	s21 =	simm.s32 $0x1A800;
	s22 =	simm.s32 $0x1  }
0x5: {  	s23 =	simm.s32 $0x2;
	s24 =	simm.s32 $0x15380;
	s25 =	simm.s32 $0x16700  }
0x6: {  	s26 =	simm.s32 $0x16780;
	s5 =	sand.u32 $0x1, s0;
	s6 =	smul.u32 $0x14000, s1  }
0x7: {  	[smem:$0x7FF] =	sst s3;
	s7 =	smul.u32 $0x50000, s1;
	s14 =	sadd.s32 $0x15C00, s10  }
0x8: {  	s9 =	sshll.u32 s1, $0x1;
	s15 =	sadd.s32 $0x1FC00, s10;
	s4 =	smul.u32 $0x140000, s5  }
0x9: {  	_ =	strace $0x8000004A;
	s30 =	ssub.s32 $0x2, s5;
	s31 =	sor.u32 s5, s9  }
0xa: {  	s8 =	sshrl.u32 s30, $0x1;
	s7 =	sshrl.u32 s7, $0x2;
	s13 =	smul.u32 $0x500, s31  }
0xb: {  	s6 =	sadd.s32 s6, s4;
	s4 =	sadd.s32 $0x8DC00, s10;
	s5 =	sadd.s32 s7, s2  }
0xc: {  	s12 =	ssub.s32 s30, s8;
	s6 =	sshrl.u32 s6, $0x3;
	s7 =	sadd.s32 $0x8000, s5  }
0xd: {  	s8 =	sadd.s32 $0xC000, s5;
	s9 =	sadd.s32 $0x10000, s5;
	s11 =	sadd.s32 s6, s10  }
0xe: {  	s16 =	sadd.s32 $0x280, s13;
	s6 =	sadd.s32 $0x4000, s5;
	s10 =	sadd.s32 $0xB5C00, s11  }
0xf: {  	s11 =	smax.u32 s12, $0x1;
	s12 =	sadd.s32 s14, s13;
	s13 =	sadd.s32 s13, s15  }
0x10: {  	v0 =	vimm.f32 $0.0e+00;
	s14 =	sadd.s32 s14, s16;
	s15 =	sadd.s32 s16, s15;
	s16 =	simm.s32 $0x16800  }
.LBB2_1:
0x11: {  	s28 =	simm.s32 $0x0;
	s29 =	simm.s32 $0x200  }
.LBB2_2:
0x12: {  	p0 =	sne.s32 s29, $0xFE00;
	[tilespmem:s28+$0x16870] =	vst v0  }
0x13: {  	[tilespmem:s28+$0x16800] =	vst v0  }
0x14: {  	[tilespmem:s28+$0x16810] =	vst v0  }
.Ltmp0:
0x15: {  	[tilespmem:s28+$0x16820] =	vst v0;
	(pc) =	sbr.rel @p0 .LBB2_2-.Ltmp0, $4  }
0x16: {  	[tilespmem:s28+$0x16830] =	vst v0  }
0x17: {  	[tilespmem:s28+$0x16840] =	vst v0  }
0x18: {  	[tilespmem:s28+$0x16850] =	vst v0  }
0x19: {  	[tilespmem:s28+$0x16860] =	vst v0;
	s28 =	sshra.s32 s29, $0x2;
	s29 =	sadd.s32 $0x200, s29  }
0x1a: {  	[tilespmem:s28+$0x16870] =	vst v0  }
0x1b: {  	[tilespmem:s28+$0x16800] =	vst v0  }
0x1c: {  	[tilespmem:s28+$0x16810] =	vst v0  }
0x1d: {  	[tilespmem:s28+$0x16820] =	vst v0  }
0x1e: {  	[tilespmem:s28+$0x16830] =	vst v0  }
0x1f: {  	[tilespmem:s28+$0x16840] =	vst v0  }
0x20: {  	[tilespmem:s28+$0x16850] =	vst v0  }
0x21: {  	[tilespmem:s28+$0x16860] =	vst v0  }
0x22: {  	[spmem:s5] =	stream.linear.scatter [tilespmem:s16], [sflag:$0x3], $0x4000, $0x38;
	[tilespmem:$0x1E800] =	vst v63  }
0x23: {  	_ =	swait.ge [sflag:s17], $0x4000  }
0x24: {  	[sflag:s17] =	ssyncset.done $0x0  }
0x25: {  	[sflag:s17] =	ssyncadd.s32 $0xFFFFC000  }
0x26: {  	[spmem:s6] =	stream.linear.scatter [tilespmem:s16], [sflag:$0x3], $0x4000, $0x38;
	[tilespmem:$0x1E800] =	vst v63  }
0x27: {  	_ =	swait.ge [sflag:s17], $0x4000  }
0x28: {  	[sflag:s17] =	ssyncset.done $0x0  }
0x29: {  	[sflag:s17] =	ssyncadd.s32 $0xFFFFC000  }
0x2a: {  	[spmem:s7] =	stream.linear.scatter [tilespmem:s16], [sflag:$0x3], $0x4000, $0x38;
	[tilespmem:$0x1E800] =	vst v63  }
0x2b: {  	_ =	swait.ge [sflag:s17], $0x4000  }
0x2c: {  	[sflag:s17] =	ssyncset.done $0x0  }
0x2d: {  	[sflag:s17] =	ssyncadd.s32 $0xFFFFC000  }
0x2e: {  	[spmem:s8] =	stream.linear.scatter [tilespmem:s16], [sflag:$0x3], $0x4000, $0x38;
	[tilespmem:$0x1E800] =	vst v63  }
0x2f: {  	_ =	swait.ge [sflag:s17], $0x4000  }
0x30: {  	[sflag:s17] =	ssyncset.done $0x0  }
0x31: {  	[sflag:s17] =	ssyncadd.s32 $0xFFFFC000  }
0x32: {  	[spmem:s9] =	stream.linear.scatter [tilespmem:s16], [sflag:$0x3], $0x4000, $0x38;
	[tilespmem:$0x1E800] =	vst v63  }
0x33: {  	_ =	swait.ge [sflag:s17], $0x4000  }
0x34: {  	[sflag:s17] =	ssyncset.done $0x0  }
0x35: {  	[sflag:s17] =	ssyncadd.s32 $0xFFFFC000  }
0x36: {  	s28 =	simm.s32 $0x0;
	[bflag:$0x0] =	sbarrier.arrive $0xFFFF  }
0x37: {  	[tilespmem:s18], [sflag:$0x3] =	stream.linear.gather [hbm4b:s12+s28], $0x1400, $0x38;
	[tilespmem:$0x1E800] =	vst v63  }
0x38: {  	_ =	swait.ge [sflag:s17], $0x1400  }
0x39: {  	[sflag:s17] =	ssyncset.done $0x0  }
0x3a: {  	[sflag:s17] =	ssyncadd.s32 $0xFFFFEC00  }
0x3b: {  	[tilespmem:s19], [sflag:$0x3] =	stream.linear.gather [hbm4b:s13+s28], $0x1400, $0x38;
	[tilespmem:$0x1E800] =	vst v63  }
0x3c: {  	_ =	swait.ge [sflag:s17], $0x1400  }
0x3d: {  	[sflag:s17] =	ssyncset.done $0x0  }
0x3e: {  	[sflag:s17] =	ssyncadd.s32 $0xFFFFEC00  }
0x3f: {  	[tilespmem:s16], [sflag:$0x1] =	stream.indirect.gather [hbm4b:s4+s20], $0x80, s18, s20, $0xb8;
	[tilespmem:$0x1E800] =	vst v63  }
0x40: {  	s28 =	simm.s32 $0x14080  }
0x41: {  	[tilespmem:s21], [sflag:$0x2] =	stream.indirect.gather [hbm4b:s4+s20], $0x80, s28, s20, $0xb8;
	[tilespmem:$0x1E800] =	vst v63  }
0x42: {  	_ =	swait.ge [sflag:s22], $0x4000  }
0x43: {  	[sflag:s22] =	ssyncset.done $0x0  }
0x44: {  	s28 =	simm.s32 $0x15400;
	[sflag:s22] =	ssyncadd.s32 $0xFFFFC000  }
0x45: {  	[spmem:s2] =	stream.indirect.scatter.add.f32 [tilespmem:s16], [sflag:$0x3], $0x80, s28, s20, $0xb8;
	[tilespmem:$0x1E800] =	vst v63  }
0x46: {  	_ =	swait.ge [sflag:s17], $0x4000  }
0x47: {  	[sflag:s17] =	ssyncset.done $0x0  }
0x48: {  	s28 =	simm.s32 $0x14100;
	[sflag:s17] =	ssyncadd.s32 $0xFFFFC000  }
0x49: {  	[tilespmem:s16], [sflag:$0x1] =	stream.indirect.gather [hbm4b:s4+s20], $0x80, s28, s20, $0xb8;
	[tilespmem:$0x1E800] =	vst v63  }
0x4a: {  	_ =	swait.ge [sflag:s23], $0x4000  }
0x4b: {  	[sflag:s23] =	ssyncset.done $0x0  }
0x4c: {  	s28 =	simm.s32 $0x15480;
	[sflag:s23] =	ssyncadd.s32 $0xFFFFC000  }
0x4d: {  	[spmem:s2] =	stream.indirect.scatter.add.f32 [tilespmem:s21], [sflag:$0x3], $0x80, s28, s20, $0xb8;
	[tilespmem:$0x1E800] =	vst v63  }
0x4e: {  	_ =	swait.ge [sflag:s17], $0x4000  }
0x4f: {  	s29 =	simm.s32 $0x800;
	s28 =	simm.s32 $0x100;
	[sflag:s17] =	ssyncset.done $0x0  }
.LBB2_4:
0x50: {  	s30 =	sadd.s32 $0x14080, s28  }
0x51: {  	[sflag:s17] =	ssyncadd.s32 $0xFFFFC000;
	s31 =	smov.u32 s29;
	s0 =	sadd.s32 $0x400, s29  }
0x52: {  	[tilespmem:s21], [sflag:$0x2] =	stream.indirect.gather [hbm4b:s4+s20], $0x80, s30, s20, $0xb8;
	[tilespmem:$0x1E800] =	vst v63  }
0x53: {  	p0 =	sne.s32 s29, $0x4800;
	_ =	swait.ge [sflag:s22], $0x4000  }
0x54: {  	[sflag:s22] =	ssyncset.done $0x0  }
0x55: {  	s29 =	sadd.s32 $0x15400, s28;
	[sflag:s22] =	ssyncadd.s32 $0xFFFFC000  }
0x56: {  	[spmem:s2] =	stream.indirect.scatter.add.f32 [tilespmem:s16], [sflag:$0x3], $0x80, s29, s20, $0xb8;
	[tilespmem:$0x1E800] =	vst v63  }
0x57: {  	_ =	swait.ge [sflag:s17], $0x4000  }
0x58: {  	[sflag:s17] =	ssyncset.done $0x0  }
0x59: {  	s29 =	sadd.s32 $0x14100, s28;
	[sflag:s17] =	ssyncadd.s32 $0xFFFFC000  }
0x5a: {  	[tilespmem:s16], [sflag:$0x1] =	stream.indirect.gather [hbm4b:s4+s20], $0x80, s29, s20, $0xb8;
	[tilespmem:$0x1E800] =	vst v63  }
0x5b: {  	_ =	swait.ge [sflag:s23], $0x4000  }
.Ltmp1:
0x5c: {  	[sflag:s23] =	ssyncset.done $0x0;
	(pc) =	sbr.rel @p0 .LBB2_4-.Ltmp1, $4  }
0x5d: {  	s28 =	sadd.s32 $0x15480, s28;
	[sflag:s23] =	ssyncadd.s32 $0xFFFFC000  }
0x5e: {  	[spmem:s2] =	stream.indirect.scatter.add.f32 [tilespmem:s21], [sflag:$0x3], $0x80, s28, s20, $0xb8;
	[tilespmem:$0x1E800] =	vst v63  }
0x5f: {  	_ =	swait.ge [sflag:s17], $0x4000  }
0x60: {  	s29 =	smov.u32 s0;
	s28 =	sshra.s32 s31, $0x2;
	[sflag:s17] =	ssyncset.done $0x0  }
0x61: {  	s0 =	sadd.s32 $0x14080, s28;
	[sflag:s17] =	ssyncadd.s32 $0xFFFFC000  }
0x62: {  	[tilespmem:s21], [sflag:$0x2] =	stream.indirect.gather [hbm4b:s4+s20], $0x80, s0, s20, $0xb8;
	[tilespmem:$0x1E800] =	vst v63  }
0x63: {  	_ =	swait.ge [sflag:s22], $0x4000  }
0x64: {  	[sflag:s22] =	ssyncset.done $0x0  }
0x65: {  	s30 =	sadd.s32 $0x15400, s28;
	[sflag:s22] =	ssyncadd.s32 $0xFFFFC000  }
0x66: {  	[spmem:s2] =	stream.indirect.scatter.add.f32 [tilespmem:s16], [sflag:$0x3], $0x80, s30, s20, $0xb8;
	[tilespmem:$0x1E800] =	vst v63  }
0x67: {  	_ =	swait.ge [sflag:s17], $0x4000  }
0x68: {  	[sflag:s17] =	ssyncset.done $0x0  }
0x69: {  	s31 =	sadd.s32 $0x14100, s28;
	[sflag:s17] =	ssyncadd.s32 $0xFFFFC000  }
0x6a: {  	[tilespmem:s16], [sflag:$0x1] =	stream.indirect.gather [hbm4b:s4+s20], $0x80, s31, s20, $0xb8;
	[tilespmem:$0x1E800] =	vst v63  }
0x6b: {  	_ =	swait.ge [sflag:s23], $0x4000  }
0x6c: {  	[sflag:s23] =	ssyncset.done $0x0  }
0x6d: {  	s30 =	sadd.s32 $0x15480, s28;
	[sflag:s23] =	ssyncadd.s32 $0xFFFFC000  }
0x6e: {  	[spmem:s2] =	stream.indirect.scatter.add.f32 [tilespmem:s21], [sflag:$0x3], $0x80, s30, s20, $0xb8;
	[tilespmem:$0x1E800] =	vst v63  }
0x6f: {  	_ =	swait.ge [sflag:s17], $0x4000  }
0x70: {  	[sflag:s17] =	ssyncset.done $0x0  }
0x71: {  	[sflag:s17] =	ssyncadd.s32 $0xFFFFC000  }
0x72: {  	[tilespmem:s21], [sflag:$0x2] =	stream.indirect.gather [hbm4b:s4+s20], $0x80, s24, s20, $0xb8;
	[tilespmem:$0x1E800] =	vst v63  }
0x73: {  	_ =	swait.ge [sflag:s22], $0x4000  }
0x74: {  	[sflag:s22] =	ssyncset.done $0x0  }
0x75: {  	[sflag:s22] =	ssyncadd.s32 $0xFFFFC000  }
0x76: {  	[spmem:s2] =	stream.indirect.scatter.add.f32 [tilespmem:s16], [sflag:$0x3], $0x80, s25, s20, $0xb8;
	[tilespmem:$0x1E800] =	vst v63  }
0x77: {  	_ =	swait.ge [sflag:s17], $0x4000  }
0x78: {  	[sflag:s17] =	ssyncset.done $0x0  }
0x79: {  	[sflag:s17] =	ssyncadd.s32 $0xFFFFC000  }
0x7a: {  	_ =	swait.ge [sflag:s23], $0x4000  }
0x7b: {  	[sflag:s23] =	ssyncset.done $0x0  }
0x7c: {  	[sflag:s23] =	ssyncadd.s32 $0xFFFFC000  }
0x7d: {  	[spmem:s2] =	stream.indirect.scatter.add.f32 [tilespmem:s21], [sflag:$0x3], $0x80, s26, s20, $0xb8;
	[tilespmem:$0x1E800] =	vst v63  }
0x7e: {  	_ =	swait.ge [sflag:s17], $0x4000  }
0x7f: {  	[sflag:s17] =	ssyncset.done $0x0  }
0x80: {  	s31 =	simm.s32 $0x0;
	[sflag:s17] =	ssyncadd.s32 $0xFFFFC000  }
0x81: {  	[tilespmem:s18], [sflag:$0x3] =	stream.linear.gather [hbm4b:s14+s31], $0x1400, $0x38;
	[tilespmem:$0x1E800] =	vst v63  }
0x82: {  	_ =	swait.ge [sflag:s17], $0x1400  }
0x83: {  	[sflag:s17] =	ssyncset.done $0x0  }
0x84: {  	[sflag:s17] =	ssyncadd.s32 $0xFFFFEC00  }
0x85: {  	[tilespmem:s19], [sflag:$0x3] =	stream.linear.gather [hbm4b:s15+s31], $0x1400, $0x38;
	[tilespmem:$0x1E800] =	vst v63  }
0x86: {  	_ =	swait.ge [sflag:s17], $0x1400  }
0x87: {  	[sflag:s17] =	ssyncset.done $0x0  }
0x88: {  	[sflag:s17] =	ssyncadd.s32 $0xFFFFEC00  }
0x89: {  	[tilespmem:s16], [sflag:$0x1] =	stream.indirect.gather [hbm4b:s4+s20], $0x80, s18, s20, $0xb8;
	[tilespmem:$0x1E800] =	vst v63  }
0x8a: {  	s30 =	simm.s32 $0x14080  }
0x8b: {  	[tilespmem:s21], [sflag:$0x2] =	stream.indirect.gather [hbm4b:s4+s20], $0x80, s30, s20, $0xb8;
	[tilespmem:$0x1E800] =	vst v63  }
0x8c: {  	_ =	swait.ge [sflag:s22], $0x4000  }
0x8d: {  	[sflag:s22] =	ssyncset.done $0x0  }
0x8e: {  	s31 =	simm.s32 $0x15400;
	[sflag:s22] =	ssyncadd.s32 $0xFFFFC000  }
0x8f: {  	[spmem:s2] =	stream.indirect.scatter.add.f32 [tilespmem:s16], [sflag:$0x3], $0x80, s31, s20, $0xb8;
	[tilespmem:$0x1E800] =	vst v63  }
0x90: {  	_ =	swait.ge [sflag:s17], $0x4000  }
0x91: {  	[sflag:s17] =	ssyncset.done $0x0  }
0x92: {  	s30 =	simm.s32 $0x14100;
	[sflag:s17] =	ssyncadd.s32 $0xFFFFC000  }
0x93: {  	[tilespmem:s16], [sflag:$0x1] =	stream.indirect.gather [hbm4b:s4+s20], $0x80, s30, s20, $0xb8;
	[tilespmem:$0x1E800] =	vst v63  }
0x94: {  	_ =	swait.ge [sflag:s23], $0x4000  }
0x95: {  	[sflag:s23] =	ssyncset.done $0x0  }
0x96: {  	s31 =	simm.s32 $0x15480;
	[sflag:s23] =	ssyncadd.s32 $0xFFFFC000  }
0x97: {  	[spmem:s2] =	stream.indirect.scatter.add.f32 [tilespmem:s21], [sflag:$0x3], $0x80, s31, s20, $0xb8;
	[tilespmem:$0x1E800] =	vst v63  }
0x98: {  	_ =	swait.ge [sflag:s17], $0x4000  }
0x99: {  	s29 =	simm.s32 $0x800;
	s28 =	simm.s32 $0x100;
	[sflag:s17] =	ssyncset.done $0x0  }
.LBB2_6:
0x9a: {  	s0 =	sadd.s32 $0x14080, s28  }
0x9b: {  	[sflag:s17] =	ssyncadd.s32 $0xFFFFC000;
	s30 =	smov.u32 s29;
	s31 =	sadd.s32 $0x400, s29  }
0x9c: {  	[tilespmem:s21], [sflag:$0x2] =	stream.indirect.gather [hbm4b:s4+s20], $0x80, s0, s20, $0xb8;
	[tilespmem:$0x1E800] =	vst v63  }
0x9d: {  	p0 =	sne.s32 s29, $0x4800;
	_ =	swait.ge [sflag:s22], $0x4000  }
0x9e: {  	[sflag:s22] =	ssyncset.done $0x0  }
0x9f: {  	s0 =	sadd.s32 $0x15400, s28;
	[sflag:s22] =	ssyncadd.s32 $0xFFFFC000  }
0xa0: {  	[spmem:s2] =	stream.indirect.scatter.add.f32 [tilespmem:s16], [sflag:$0x3], $0x80, s0, s20, $0xb8;
	[tilespmem:$0x1E800] =	vst v63  }
0xa1: {  	_ =	swait.ge [sflag:s17], $0x4000  }
0xa2: {  	[sflag:s17] =	ssyncset.done $0x0  }
0xa3: {  	s0 =	sadd.s32 $0x14100, s28;
	[sflag:s17] =	ssyncadd.s32 $0xFFFFC000  }
0xa4: {  	[tilespmem:s16], [sflag:$0x1] =	stream.indirect.gather [hbm4b:s4+s20], $0x80, s0, s20, $0xb8;
	[tilespmem:$0x1E800] =	vst v63  }
0xa5: {  	_ =	swait.ge [sflag:s23], $0x4000  }
.Ltmp2:
0xa6: {  	[sflag:s23] =	ssyncset.done $0x0;
	(pc) =	sbr.rel @p0 .LBB2_6-.Ltmp2, $4  }
0xa7: {  	s0 =	sadd.s32 $0x15480, s28;
	[sflag:s23] =	ssyncadd.s32 $0xFFFFC000  }
0xa8: {  	[spmem:s2] =	stream.indirect.scatter.add.f32 [tilespmem:s21], [sflag:$0x3], $0x80, s0, s20, $0xb8;
	[tilespmem:$0x1E800] =	vst v63  }
0xa9: {  	_ =	swait.ge [sflag:s17], $0x4000  }
0xaa: {  	s29 =	smov.u32 s31;
	s28 =	sshra.s32 s30, $0x2;
	[sflag:s17] =	ssyncset.done $0x0  }
0xab: {  	s0 =	sadd.s32 $0x14080, s28;
	[sflag:s17] =	ssyncadd.s32 $0xFFFFC000  }
0xac: {  	[tilespmem:s21], [sflag:$0x2] =	stream.indirect.gather [hbm4b:s4+s20], $0x80, s0, s20, $0xb8;
	[tilespmem:$0x1E800] =	vst v63  }
0xad: {  	_ =	swait.ge [sflag:s22], $0x4000  }
0xae: {  	[sflag:s22] =	ssyncset.done $0x0  }
0xaf: {  	s30 =	sadd.s32 $0x15400, s28;
	[sflag:s22] =	ssyncadd.s32 $0xFFFFC000  }
0xb0: {  	[spmem:s2] =	stream.indirect.scatter.add.f32 [tilespmem:s16], [sflag:$0x3], $0x80, s30, s20, $0xb8;
	[tilespmem:$0x1E800] =	vst v63  }
0xb1: {  	_ =	swait.ge [sflag:s17], $0x4000  }
0xb2: {  	[sflag:s17] =	ssyncset.done $0x0  }
0xb3: {  	s31 =	sadd.s32 $0x14100, s28;
	[sflag:s17] =	ssyncadd.s32 $0xFFFFC000  }
0xb4: {  	[tilespmem:s16], [sflag:$0x1] =	stream.indirect.gather [hbm4b:s4+s20], $0x80, s31, s20, $0xb8;
	[tilespmem:$0x1E800] =	vst v63  }
0xb5: {  	_ =	swait.ge [sflag:s23], $0x4000  }
0xb6: {  	[sflag:s23] =	ssyncset.done $0x0  }
0xb7: {  	s29 =	sadd.s32 $0x15480, s28;
	[sflag:s23] =	ssyncadd.s32 $0xFFFFC000  }
0xb8: {  	[spmem:s2] =	stream.indirect.scatter.add.f32 [tilespmem:s21], [sflag:$0x3], $0x80, s29, s20, $0xb8;
	[tilespmem:$0x1E800] =	vst v63  }
0xb9: {  	_ =	swait.ge [sflag:s17], $0x4000  }
0xba: {  	[sflag:s17] =	ssyncset.done $0x0  }
0xbb: {  	[sflag:s17] =	ssyncadd.s32 $0xFFFFC000  }
0xbc: {  	[tilespmem:s21], [sflag:$0x2] =	stream.indirect.gather [hbm4b:s4+s20], $0x80, s24, s20, $0xb8;
	[tilespmem:$0x1E800] =	vst v63  }
0xbd: {  	_ =	swait.ge [sflag:s22], $0x4000  }
0xbe: {  	[sflag:s22] =	ssyncset.done $0x0  }
0xbf: {  	[sflag:s22] =	ssyncadd.s32 $0xFFFFC000  }
0xc0: {  	[spmem:s2] =	stream.indirect.scatter.add.f32 [tilespmem:s16], [sflag:$0x3], $0x80, s25, s20, $0xb8;
	[tilespmem:$0x1E800] =	vst v63  }
0xc1: {  	_ =	swait.ge [sflag:s17], $0x4000  }
0xc2: {  	[sflag:s17] =	ssyncset.done $0x0  }
0xc3: {  	[sflag:s17] =	ssyncadd.s32 $0xFFFFC000  }
0xc4: {  	_ =	swait.ge [sflag:s23], $0x4000  }
0xc5: {  	[sflag:s23] =	ssyncset.done $0x0  }
0xc6: {  	[sflag:s23] =	ssyncadd.s32 $0xFFFFC000  }
0xc7: {  	[spmem:s2] =	stream.indirect.scatter.add.f32 [tilespmem:s21], [sflag:$0x3], $0x80, s26, s20, $0xb8;
	[tilespmem:$0x1E800] =	vst v63  }
0xc8: {  	_ =	swait.ge [sflag:s17], $0x4000  }
0xc9: {  	s3 =	sadd.s32 $0x1, s3;
	s30 =	sshll.u32 s1, $0x6;
	[sflag:s17] =	ssyncset.done $0x0  }
0xca: {  	p0 =	sne.s32 s3, s11;
	s0 =	sor.u32 $0x1C03, s30;
	[sflag:s17] =	ssyncadd.s32 $0xFFFFC000  }
.Ltmp3:
0xcb: {  	s31 =	sshrl.u32 s5, $0x3;
	[bflag:$0x0] =	sbarrier.arrive $0xFFFF;
	(pc) =	sbr.rel @p0 .LBB2_1-.Ltmp3, $4  }
0xcc: {  	[hbm:s10], [sflag:s0] =	dma.local [spmem:s31], $0x2800  }
0xcd: {  	_ =	swait.ge [sflag:s17], $0x2800  }
0xce: {  	[sflag:s17] =	ssyncset.done $0x0  }
0xcf: {  	[sflag:s17] =	ssyncadd.s32 $0xFFFFD800  }
0xd0: {  	_ =	sfence.sel $0x180000  }
0xd1: {  	[bflag:$0x0] =	sbarrier.arrive $0xFFFF  }
0xd2: {  	_ =	strace $0x9000004A  }
0xd3: {  	[bflag:$0x2] =	sbarrier.arrive $0xFFFF  }
0xd4: {  	p0 =	sne.s32 s1, $0x0;
	s0 =	rddreg [dreg:$0x2]  }
0xd5: {  	s0 =	sadd.s32 @!p0 $0x100000, s0  }
0xd6: {  	[sflag:s0] =	ssyncadd.tile.s32 @!p0 $0x1;
	_ =	shalt  }
.Lfunc_end2:
_tile_overlayer_lowered:
.L_overlay_start_2:
0xd7: {  	(tag) =	ssettag $0x2  }
0xd8: {  	s0 =	rddreg [dreg:$0x0];
	s2 =	stileid.u32  }
0xd9: {  	s1 =	rddreg [dreg:$0x1];
	p0 =	sne.s32 s2, $0x0  }
0xda: {  	s3 =	rddreg [dreg:$0x2];
	[bflag:$0x3] =	sbarrier.arrive $0xFFFF;
	s2 =	simm.s32 @!p0 $0x1C03  }
0xdb: {  	[timem:s3], [sflag:s2] =	dma.local @!p0 [hbm:s0], s1  }
0xdc: {  	s0 =	simm.s32 @!p0 $0x3  }
0xdd: {  	_ =	swait.ge @!p0 [sflag:s0], s1  }
0xde: {  	s1 =	ssub.s32 @!p0 $0x0, s1;
	[sflag:s0] =	ssyncset.done @!p0 $0x0  }
0xdf: {  	[sflag:s0] =	ssyncadd.s32 @!p0 s1  }
0xe0: {  	[bflag:$0x3] =	sbarrier.arrive $0xFFFF  }
0xe1: {  	_ =	shalt  }

// kernel: kernel.14.cloned.1.call-start
scs
__scs_entry_jumppad:
0x0: {  	(pc) =	sbr.rel $0x88, $3  }
0x1: {  	(tag) =	ssettag $0x0;
	lr =	simm.s32 $0x1  }
0x2: {  	[smem:$0x3F99] =	sst lr;
	_ =	strace $0xD0000000  }
0x3: {  	_ = 	snop  }
0x4: {  	_ = 	snop  }
0x5: {  	_ = 	snop  }
0x6: {  	_ = 	snop  }
0x7: {  	_ = 	snop  }
__scs_overlays_trampoline_lowered:
0x8: {  	[smem:$0x3FA8] =	sst s0  }
0x9: {  	[smem:$0x3FA9] =	sst s1  }
0xa: {  	[smem:$0x3FAA] =	sst s2  }
0xb: {  	[smem:$0x3FAB] =	sst s3  }
0xc: {  	[smem:$0x3FAC] =	sst s4  }
0xd: {  	[smem:$0x3FAD] =	sst s5  }
0xe: {  	[smem:$0x3FAE] =	sst s6  }
0xf: {  	[smem:$0x3FAF] =	sst s7  }
0x10: {  	[smem:$0x3FB0] =	sst s8  }
0x11: {  	[smem:$0x3FB1] =	sst s9;
	s0 =	simm.s32 @!p0 $0x0  }
0x12: {  	s1 =	sld [smem:$0x3F97];
	s0 =	simm.s32 @p0 $0x1  }
0x13: {  	[smem:$0x3FB2] =	sst s0;
	s0 =	simm.s32 @!p1 $0x0  }
0x14: {  	s2 =	sld [smem:$0x3F96];
	s0 =	simm.s32 @p1 $0x1  }
0x15: {  	[smem:$0x3FB3] =	sst s0;
	s0 =	simm.s32 @!p2 $0x0  }
0x16: {  	s3 =	sld [smem:$0x3FDB];
	s0 =	simm.s32 @p2 $0x1  }
0x17: {  	s4 =	simm.s32 $0x1BF5;
	[smem:$0x3FB5] =	sst s0  }
0x18: {  	s0 =	sld [smem:$0x3F98];
	_ =	swait.ge [sflag:s4], $0x0  }
0x19: {  	s7 =	sld [smem:$0x3F99]  }
0x1a: {  	s8 =	sadd.s32 $0xFFFFE003, lr  }
0x1b: {  	s9 =	sadd.s32 $0xFFFFFEF7, lr;
	s5 =	simm.s32 $0xFFFFFFFF;
	p2 =	slt.u32 s8, $0xFFFFF086  }
0x1c: {  	p1 =	slt.u32 s9, $0xF7A;
	s5 =	simm.s32 @!p2 $0x0  }
0x1d: {  	s5 =	simm.s32 @p1 $0x1;
	p0 =	seq.s32 s7, s2  }
0x1e: {  	s7 =	smul.u32 @!p0 $0xF7A, s2;
	p2 =	seq.s32 @!p0 s5, $0x0  }
0x1f: {  	s9 =	smul.u32 $0xF7A, s1;
	s8 =	simm.s32 @!p0 $0x1BF5;
	p2 =	por !p2, p0  }
0x20: {  	[sflag:s8] =	ssyncset.s32 @!p0 $0xFFFFF086;
	s6 =	sadd.s32 @!p0 s3, s7;
	s7 =	simm.s32 @!p0 $0x108  }
0x21: {  	s3 =	sadd.s32 s3, s9;
	s6 =	sadd.s32 @!p0 $0x88, s6;
	s7 =	simm.s32 @p2 $0x1082  }
0x22: {  	[simem:s7], [sflag:s8] =	dma.local @!p0 [hbm:s6], $0xF7A  }
0x23: {  	s9 =	sor.u32 $0xD0000000, s2;
	s6 =	simm.s32 $0x108;
	_ =	swait.ge @!p0 [sflag:s8], $0x0  }
0x24: {  	s3 =	sadd.s32 $0x88, s3;
	s6 =	simm.s32 @!p1 $0x1082;
	[sflag:s4] =	ssyncset.s32 $0xFFFFF086  }
0x25: {  	[simem:s6], [sflag:s4] =	dma.local [hbm:s3], $0xF7A  }
0x26: {  	[smem:$0x3F99] =	sst s1;
	(tag) =	ssettag s2;
	_ =	strace s9  }
0x27: {  	s1 =	sld [smem:$0x3FA9]  }
0x28: {  	s2 =	sld [smem:$0x3FAA]  }
0x29: {  	s4 =	sld [smem:$0x3FAC]  }
0x2a: {  	p0 =	seq.s32 s5, $0x0;
	s5 =	sld [smem:$0x3FAD]  }
0x2b: {  	s6 =	sld [smem:$0x3FAE]  }
0x2c: {  	s7 =	sld [smem:$0x3FAF]  }
0x2d: {  	s3 =	simm.s32 $0x108;
	s8 =	sld [smem:$0x3FB0]  }
0x2e: {  	s3 =	simm.s32 @!p0 $0x1082;
	s9 =	sld [smem:$0x3FB1]  }
0x2f: {  	lr =	sadd.s32 s0, s3;
	s0 =	sld [smem:$0x3FA8]  }
0x30: {  	s3 =	sld [smem:$0x3FAB]  }
0x31: {  	[smem:$0x3FB4] =	sst s10  }
0x32: {  	s10 =	sld [smem:$0x3FB2];
	_ =	sdelay $0x3  }
0x33: {  	p0 =	seq.s32 s10, $0x1;
	s10 =	sld [smem:$0x3FB4];
	_ =	sdelay $0x3  }
0x34: {  	[smem:$0x3FB4] =	sst s10  }
0x35: {  	s10 =	sld [smem:$0x3FB3];
	_ =	sdelay $0x3  }
0x36: {  	p1 =	seq.s32 s10, $0x1;
	s10 =	sld [smem:$0x3FB4];
	_ =	sdelay $0x3  }
0x37: {  	[smem:$0x3FB4] =	sst s10  }
0x38: {  	s10 =	sld [smem:$0x3FB5]  }
0x39: {  	_ = 	snop;
	(pc) =	sbr.ind lr, $3  }
0x3a: {  	_ = 	snop  }
0x3b: {  	_ = 	snop  }
0x3c: {  	p2 =	seq.s32 s10, $0x1;
	s10 =	sld [smem:$0x3FB4]  }
0x3d: {  	_ =	shalt  }
0x3e: {  	_ =	shalt  }
0x3f: {  	_ =	shalt  }
0x40: {  	_ =	shalt  }
0x41: {  	_ =	shalt  }
0x42: {  	_ =	shalt  }
0x43: {  	_ =	shalt  }
0x44: {  	_ =	shalt  }
0x45: {  	_ =	shalt  }
0x46: {  	_ =	shalt  }
0x47: {  	_ =	shalt  }
0x48: {  	_ =	shalt  }
0x49: {  	_ =	shalt  }
0x4a: {  	_ =	shalt  }
0x4b: {  	_ =	shalt  }
0x4c: {  	_ =	shalt  }
0x4d: {  	_ =	shalt  }
0x4e: {  	_ =	shalt  }
0x4f: {  	_ =	shalt  }
0x50: {  	_ =	shalt  }
0x51: {  	_ =	shalt  }
0x52: {  	_ =	shalt  }
0x53: {  	_ =	shalt  }
0x54: {  	_ =	shalt  }
0x55: {  	_ =	shalt  }
0x56: {  	_ =	shalt  }
0x57: {  	_ =	shalt  }
0x58: {  	_ =	shalt  }
0x59: {  	_ =	shalt  }
0x5a: {  	_ =	shalt  }
0x5b: {  	_ =	shalt  }
0x5c: {  	_ =	shalt  }
0x5d: {  	_ =	shalt  }
0x5e: {  	_ =	shalt  }
0x5f: {  	_ =	shalt  }
0x60: {  	_ =	shalt  }
0x61: {  	_ =	shalt  }
0x62: {  	_ =	shalt  }
0x63: {  	_ =	shalt  }
0x64: {  	_ =	shalt  }
0x65: {  	_ =	shalt  }
0x66: {  	_ =	shalt  }
0x67: {  	_ =	shalt  }
0x68: {  	_ =	shalt  }
0x69: {  	_ =	shalt  }
0x6a: {  	_ =	shalt  }
0x6b: {  	_ =	shalt  }
0x6c: {  	_ =	shalt  }
0x6d: {  	_ =	shalt  }
0x6e: {  	_ =	shalt  }
0x6f: {  	_ =	shalt  }
0x70: {  	_ =	shalt  }
0x71: {  	_ =	shalt  }
0x72: {  	_ =	shalt  }
0x73: {  	_ =	shalt  }
0x74: {  	_ =	shalt  }
0x75: {  	_ =	shalt  }
0x76: {  	_ =	shalt  }
0x77: {  	_ =	shalt  }
0x78: {  	_ =	shalt  }
0x79: {  	_ =	shalt  }
0x7a: {  	_ =	shalt  }
0x7b: {  	_ =	shalt  }
0x7c: {  	_ =	shalt  }
0x7d: {  	_ =	shalt  }
0x7e: {  	_ =	shalt  }
0x7f: {  	_ =	shalt  }
0x80: {  	_ =	shalt  }
0x81: {  	_ =	shalt  }
0x82: {  	_ =	shalt  }
0x83: {  	_ =	shalt  }
0x84: {  	_ =	shalt  }
0x85: {  	_ =	shalt  }
0x86: {  	_ =	shalt  }
0x87: {  	_ =	shalt  }
.Lfunc_end0:
.L_simem_size_0:
called_computation.2_lowered:
.L_overlay_start_0:
0x88: {  	s2 =	sld [smem:$0x3FD9]  }
0x89: {  	s3 =	sld [smem:$0x3FFE];
	_ =	sdelay $0x1  }
0x8a: {  	s1 =	srdreg.scid  }
0x8b: {  	s0 =	sand.u32 $0x1, s1  }
0x8c: {  	s16 =	sshll.u32 s0, $0xA;
	s2 =	sadd.s32 s3, s2  }
0x8d: {  	s2 =	sadd.s32 s2, s16  }
0x8e: {  	[smem:$0x3FC0] =	sst s2  }
0x8f: {  	_ = 	snop  }
0x90: {  	(tm) =	ssettm $0x1  }
0x91: {  	s17 =	sld [smem:$0x3FFB];
	_ =	sdelay $0x3  }
0x92: {  	_ =	strace s17  }
0x93: {  	s2 =	sld [smem:$0x3FFC];
	_ =	sdelay $0x3  }
0x94: {  	_ =	strace s2  }
0x95: {  	s2 =	sld [smem:$0x3FFD];
	_ =	sdelay $0x3  }
0x96: {  	_ =	strace s2  }
0x97: {  	_ =	strace $0x8FFFFFFF  }
0x98: {  	s18 =	sld [smem:$0x3FDB];
	_ =	sdelay $0x1  }
0x99: {  	s19 =	simm.s32 $_scs_section_size  }
0x9a: {  	s4 =	simm.s32 $_size__tile_overlayer_lowered;
	s5 =	simm.s32 $_tile_overlayer_lowered  }
0x9b: {  	s22 =	simm.s32 $0x1BFF;
	s21 =	sshll.u32 s5, $0x1;
	s2 =	sadd.s32 s19, s18  }
0x9c: {  	s6 =	simm.s32 $0x0;
	s20 =	sshll.u32 s4, $0x1;
	s4 =	sadd.s32 s21, s2  }
0x9d: {  	[timem:s6], [sflag:s22] =	dma.local [hbm:s4], s20  }
0x9e: {  	_ =	swait.ge [sflag:s22], s20  }
0x9f: {  	s3 =	ssub.s32 $0x0, s20;
	[sflag:s22] =	ssyncset.done $0x0  }
0xa0: {  	[sflag:s22] =	ssyncadd.s32 s3;
	_ =	sdelay $0x1  }
0xa1: {  	s23 =	simm.s32 $0x1B8B  }
0xa2: {  	_ =	swait.ge [sflag:s23], $0x1  }
0xa3: {  	[sflag:s23] =	ssyncset.done $0x0  }
0xa4: {  	s25 =	simm.s32 $0x1B8E;
	s24 =	sld [smem:$0x3FFE];
	[sflag:s23] =	ssyncadd.s32 $0xFFFFFFFF  }
0xa5: {  	s26 =	simm.s32 $execute0_lowered;
	[smem:$0x3FD2] =	sst s25  }
0xa6: {  	s4 =	sshll.u32 s26, $0x1;
	_ =	strace $0x8000004C;
	[dreg:$0x1] =	wrdreg $0xFFFFFFFF  }
0xa7: {  	s28 =	simm.s32 $_size_execute0_lowered;
	s2 =	sadd.s32 s2, s4;
	[dreg:$0x0] =	wrdreg $0x0  }
0xa8: {  	s4 =	sshll.u32 s28, $0x1;
	[dreg:$0x2] =	wrdreg s2  }
0xa9: {  	[dreg:$0x3] =	wrdreg s4  }
0xaa: {  	[dreg:$0x4] =	wrdreg $0xC0  }
0xab: {  	_ =	task [dreg:s6], $0x5FFFF  }
0xac: {  	[dreg:$0x1] =	wrdreg $0xFFFFFFFF  }
0xad: {  	[dreg:$0x0] =	wrdreg $0x60  }
0xae: {  	[dreg:$0x2] =	wrdreg s24  }
0xaf: {  	[dreg:$0x3] =	wrdreg $0x0  }
0xb0: {  	[dreg:$0x4] =	wrdreg $0x9  }
0xb1: {  	_ =	task.clear_ibuf [dreg:s6], $0x5FFFF;
	_ =	strace $0x9000004C  }
0xb2: {  	s29 =	simm.s32 $0x9;
	_ =	strace $0x8000004E  }
0xb3: {  	_ =	swait.ge [sflag:s29], $0x1  }
0xb4: {  	[sflag:s29] =	ssyncadd.s32 $0xFFFFFFFF  }
0xb5: {  	_ =	strace $0x9000004E  }
0xb6: {  	_ =	sfence  }
0xb7: {  	s30 =	sld [smem:$0x0];
	_ =	sdelay $0x2  }
0xb8: {  	s31 =	sshll.u32 s1, $0xD;
	s1 =	sshrl.u32 s1, $0x2  }
0xb9: {  	s3 =	sand.u32 $0x4000, s31;
	s1 =	sadd.s32 s1, s30  }
0xba: {  	s0 =	sor.u32 s3, s0;
	s1 =	sshll.u32 s1, $0x11  }
0xbb: {  	s0 =	sor.u32 s1, s0  }
0xbc: {  	s0 =	sadd.s32 $0x8F2B, s0  }
0xbd: {  	[sflag:s0] =	ssyncadd.remote.s32 $0x1  }
0xbe: {  	_ =	sfence.sel $0xFFFF  }
0xbf: {  	[dreg:$0x0] =	wrdreg $0xFFFFFFFF;
	(pc) =	sbr.abs _section_cstart, $3  }
0xc0: {  	[dreg:$0x1] =	wrdreg $0xFFFFFFFF  }
0xc1: {  	_ =	task.clear_ibuf [dreg:s6], $0x2FFFF;
	_ =	strace $0x9FFFFFFF  }
0xc2: {  	(tm) =	ssettm $0x7FFFFFFF  }
0xc3: {  	_ =	shalt  }
tec
execute0_lowered:
.L_overlay_start_1:
0x0: {  	(tag) =	ssettag $0x1  }
0x1: {  	s5 =	rddreg [dreg:$0x0]  }
0x2: {  	s1 =	srdreg.scid;
	s0 =	stileid.u32  }
0x3: {  	s2 =	rddreg [dreg:$0x1];
	s3 =	simm.s32 $0x0;
	s15 =	simm.s32 $0x3  }
0x4: {  	s16 =	simm.s32 $0xA000;
	s17 =	simm.s32 $0xC800;
	s18 =	simm.s32 $0x80  }
0x5: {  	s19 =	simm.s32 $0x11000;
	s20 =	simm.s32 $0x1;
	s21 =	simm.s32 $0x2  }
0x6: {  	s22 =	simm.s32 $0xC780;
	s23 =	simm.s32 $0xEF00;
	s24 =	simm.s32 $0xEF80  }
0x7: {  	s6 =	sand.u32 $0x1, s1;
	s7 =	smul.u32 $0xA000, s0;
	s1 =	rddreg [dreg:$0x2]  }
0x8: {  	[smem:$0x7FF] =	sst s3;
	s9 =	smul.u32 $0x28000, s0;
	s28 =	sshll.u32 s0, $0x1  }
0x9: {  	s10 =	sadd.s32 $0x29C00, s5;
	s4 =	smul.u32 $0xA0000, s6;
	s11 =	sor.u32 s6, s28  }
0xa: {  	_ =	strace $0x8000004D;
	s29 =	ssub.s32 $0x2, s6;
	s13 =	smul.u32 $0x2800, s11  }
0xb: {  	s30 =	sshrl.u32 s9, $0x2;
	s31 =	sshrl.u32 s29, $0x1;
	s11 =	smul.u32 $0x500, s11  }
0xc: {  	s8 =	sadd.s32 s7, s4;
	s4 =	sadd.s32 $0x2200, s5;
	s9 =	sadd.s32 s30, s2  }
0xd: {  	s14 =	ssub.s32 s29, s31;
	s8 =	sshrl.u32 s8, $0x3;
	s6 =	sadd.s32 $0x2000, s9  }
0xe: {  	s13 =	sshrl.u32 s13, $0x3;
	s12 =	sadd.s32 s8, s5;
	s5 =	sadd.s32 s7, s2  }
0xf: {  	s7 =	sadd.s32 $0x4000, s9;
	s8 =	sadd.s32 $0x6000, s9;
	s13 =	sadd.s32 s10, s13  }
0x10: {  	s9 =	sadd.s32 $0x8000, s9;
	s10 =	sadd.s32 s10, s11;
	s11 =	sadd.s32 $0xA000, s13  }
0x11: {  	v0 =	vimm.f32 $0.0e+00;
	s12 =	sadd.s32 $0x8DC00, s12;
	s13 =	smax.u32 s14, $0x1;
	s14 =	simm.s32 $0xF000  }
.LBB2_1:
0x12: {  	s26 =	simm.s32 $0x100;
	s25 =	simm.s32 $0x0  }
.LBB2_2:
0x13: {  	p0 =	sne.s32 s26, $0x7F00;
	[tilespmem:s25+$0xF030] =	vst v0;
	s28 =	smov.u32 s26;
	s26 =	sadd.s32 $0x100, s26  }
.Ltmp0:
0x14: {  	[tilespmem:s25+$0xF020] =	vst v0;
	(pc) =	sbr.rel @p0 .LBB2_2-.Ltmp0, $3  }
0x15: {  	[tilespmem:s25+$0xF000] =	vst v0  }
0x16: {  	[tilespmem:s25+$0xF010] =	vst v0;
	_ =	sdelay $0x1  }
0x17: {  	s25 =	sshra.s32 s28, $0x2  }
0x18: {  	[tilespmem:s25+$0xF030] =	vst v0  }
0x19: {  	[tilespmem:s25+$0xF020] =	vst v0  }
0x1a: {  	[tilespmem:s25+$0xF000] =	vst v0  }
0x1b: {  	[tilespmem:s25+$0xF010] =	vst v0  }
0x1c: {  	[spmem:s5] =	stream.linear.scatter [tilespmem:s14], [sflag:$0x3], $0x2000, $0x38;
	[tilespmem:$0x13000] =	vst v63  }
0x1d: {  	_ =	swait.ge [sflag:s15], $0x2000  }
0x1e: {  	[sflag:s15] =	ssyncset.done $0x0  }
0x1f: {  	[sflag:s15] =	ssyncadd.s32 $0xFFFFE000  }
0x20: {  	[spmem:s6] =	stream.linear.scatter [tilespmem:s14], [sflag:$0x3], $0x2000, $0x38;
	[tilespmem:$0x13000] =	vst v63  }
0x21: {  	_ =	swait.ge [sflag:s15], $0x2000  }
0x22: {  	[sflag:s15] =	ssyncset.done $0x0  }
0x23: {  	[sflag:s15] =	ssyncadd.s32 $0xFFFFE000  }
0x24: {  	[spmem:s7] =	stream.linear.scatter [tilespmem:s14], [sflag:$0x3], $0x2000, $0x38;
	[tilespmem:$0x13000] =	vst v63  }
0x25: {  	_ =	swait.ge [sflag:s15], $0x2000  }
0x26: {  	[sflag:s15] =	ssyncset.done $0x0  }
0x27: {  	[sflag:s15] =	ssyncadd.s32 $0xFFFFE000  }
0x28: {  	[spmem:s8] =	stream.linear.scatter [tilespmem:s14], [sflag:$0x3], $0x2000, $0x38;
	[tilespmem:$0x13000] =	vst v63  }
0x29: {  	_ =	swait.ge [sflag:s15], $0x2000  }
0x2a: {  	[sflag:s15] =	ssyncset.done $0x0  }
0x2b: {  	[sflag:s15] =	ssyncadd.s32 $0xFFFFE000  }
0x2c: {  	[spmem:s9] =	stream.linear.scatter [tilespmem:s14], [sflag:$0x3], $0x2000, $0x38;
	[tilespmem:$0x13000] =	vst v63  }
0x2d: {  	_ =	swait.ge [sflag:s15], $0x2000  }
0x2e: {  	[sflag:s15] =	ssyncset.done $0x0  }
0x2f: {  	[sflag:s15] =	ssyncadd.s32 $0xFFFFE000  }
0x30: {  	s26 =	simm.s32 $0x0;
	[bflag:$0x0] =	sbarrier.arrive $0xFFFF  }
0x31: {  	[tilespmem:s16], [sflag:$0x3] =	stream.linear.gather [hbm4b:s10+s26], $0x2800, $0x38;
	[tilespmem:$0x13000] =	vst v63  }
0x32: {  	_ =	swait.ge [sflag:s15], $0x2800  }
0x33: {  	[sflag:s15] =	ssyncset.done $0x0  }
0x34: {  	[sflag:s15] =	ssyncadd.s32 $0xFFFFD800  }
0x35: {  	[tilespmem:s17], [sflag:$0x3] =	stream.linear.gather [hbm4b:s11+s26], $0x2800, $0x38;
	[tilespmem:$0x13000] =	vst v63  }
0x36: {  	_ =	swait.ge [sflag:s15], $0x2800  }
0x37: {  	[sflag:s15] =	ssyncset.done $0x0  }
0x38: {  	[sflag:s15] =	ssyncadd.s32 $0xFFFFD800  }
0x39: {  	[tilespmem:s14], [sflag:$0x1] =	stream.indirect.gather [hbm4b:s4+s18], $0x40, s16, s18, $0xb8;
	[tilespmem:$0x13000] =	vst v63  }
0x3a: {  	s28 =	simm.s32 $0xA080  }
0x3b: {  	[tilespmem:s19], [sflag:$0x2] =	stream.indirect.gather [hbm4b:s4+s18], $0x40, s28, s18, $0xb8;
	[tilespmem:$0x13000] =	vst v63  }
0x3c: {  	_ =	swait.ge [sflag:s20], $0x2000  }
0x3d: {  	[sflag:s20] =	ssyncset.done $0x0  }
0x3e: {  	s29 =	simm.s32 $0xC800;
	[sflag:s20] =	ssyncadd.s32 $0xFFFFE000  }
0x3f: {  	[spmem:s2] =	stream.indirect.scatter.add.f32 [tilespmem:s14], [sflag:$0x3], $0x40, s29, s18, $0xb8;
	[tilespmem:$0x13000] =	vst v63  }
0x40: {  	_ =	swait.ge [sflag:s15], $0x2000  }
0x41: {  	[sflag:s15] =	ssyncset.done $0x0  }
0x42: {  	s30 =	simm.s32 $0xA100;
	[sflag:s15] =	ssyncadd.s32 $0xFFFFE000  }
0x43: {  	[tilespmem:s14], [sflag:$0x1] =	stream.indirect.gather [hbm4b:s4+s18], $0x40, s30, s18, $0xb8;
	[tilespmem:$0x13000] =	vst v63  }
0x44: {  	_ =	swait.ge [sflag:s21], $0x2000  }
0x45: {  	[sflag:s21] =	ssyncset.done $0x0  }
0x46: {  	s31 =	simm.s32 $0xC880;
	[sflag:s21] =	ssyncadd.s32 $0xFFFFE000  }
0x47: {  	[spmem:s2] =	stream.indirect.scatter.add.f32 [tilespmem:s19], [sflag:$0x3], $0x40, s31, s18, $0xb8;
	[tilespmem:$0x13000] =	vst v63  }
0x48: {  	_ =	swait.ge [sflag:s15], $0x2000  }
0x49: {  	s25 =	simm.s32 $0x100;
	s26 =	simm.s32 $0x800;
	[sflag:s15] =	ssyncset.done $0x0  }
.LBB2_4:
0x4a: {  	s28 =	sadd.s32 $0xA080, s25  }
0x4b: {  	[sflag:s15] =	ssyncadd.s32 $0xFFFFE000;
	s29 =	smov.u32 s26;
	s30 =	sadd.s32 $0x400, s26  }
0x4c: {  	[tilespmem:s19], [sflag:$0x2] =	stream.indirect.gather [hbm4b:s4+s18], $0x40, s28, s18, $0xb8;
	[tilespmem:$0x13000] =	vst v63  }
0x4d: {  	p0 =	sne.s32 s26, $0x9800;
	_ =	swait.ge [sflag:s20], $0x2000  }
0x4e: {  	[sflag:s20] =	ssyncset.done $0x0  }
0x4f: {  	s26 =	sadd.s32 $0xC800, s25;
	[sflag:s20] =	ssyncadd.s32 $0xFFFFE000  }
0x50: {  	[spmem:s2] =	stream.indirect.scatter.add.f32 [tilespmem:s14], [sflag:$0x3], $0x40, s26, s18, $0xb8;
	[tilespmem:$0x13000] =	vst v63  }
0x51: {  	_ =	swait.ge [sflag:s15], $0x2000  }
0x52: {  	[sflag:s15] =	ssyncset.done $0x0  }
0x53: {  	s26 =	sadd.s32 $0xA100, s25;
	[sflag:s15] =	ssyncadd.s32 $0xFFFFE000  }
0x54: {  	[tilespmem:s14], [sflag:$0x1] =	stream.indirect.gather [hbm4b:s4+s18], $0x40, s26, s18, $0xb8;
	[tilespmem:$0x13000] =	vst v63  }
0x55: {  	_ =	swait.ge [sflag:s21], $0x2000  }
.Ltmp1:
0x56: {  	[sflag:s21] =	ssyncset.done $0x0;
	(pc) =	sbr.rel @p0 .LBB2_4-.Ltmp1, $4  }
0x57: {  	s25 =	sadd.s32 $0xC880, s25;
	[sflag:s21] =	ssyncadd.s32 $0xFFFFE000  }
0x58: {  	[spmem:s2] =	stream.indirect.scatter.add.f32 [tilespmem:s19], [sflag:$0x3], $0x40, s25, s18, $0xb8;
	[tilespmem:$0x13000] =	vst v63  }
0x59: {  	_ =	swait.ge [sflag:s15], $0x2000  }
0x5a: {  	s26 =	smov.u32 s30;
	s25 =	sshra.s32 s29, $0x2;
	[sflag:s15] =	ssyncset.done $0x0  }
0x5b: {  	s26 =	sadd.s32 $0xA080, s25;
	[sflag:s15] =	ssyncadd.s32 $0xFFFFE000  }
0x5c: {  	[tilespmem:s19], [sflag:$0x2] =	stream.indirect.gather [hbm4b:s4+s18], $0x40, s26, s18, $0xb8;
	[tilespmem:$0x13000] =	vst v63  }
0x5d: {  	_ =	swait.ge [sflag:s20], $0x2000  }
0x5e: {  	[sflag:s20] =	ssyncset.done $0x0  }
0x5f: {  	s31 =	sadd.s32 $0xC800, s25;
	[sflag:s20] =	ssyncadd.s32 $0xFFFFE000  }
0x60: {  	[spmem:s2] =	stream.indirect.scatter.add.f32 [tilespmem:s14], [sflag:$0x3], $0x40, s31, s18, $0xb8;
	[tilespmem:$0x13000] =	vst v63  }
0x61: {  	_ =	swait.ge [sflag:s15], $0x2000  }
0x62: {  	[sflag:s15] =	ssyncset.done $0x0  }
0x63: {  	s28 =	sadd.s32 $0xA100, s25;
	[sflag:s15] =	ssyncadd.s32 $0xFFFFE000  }
0x64: {  	[tilespmem:s14], [sflag:$0x1] =	stream.indirect.gather [hbm4b:s4+s18], $0x40, s28, s18, $0xb8;
	[tilespmem:$0x13000] =	vst v63  }
0x65: {  	_ =	swait.ge [sflag:s21], $0x2000  }
0x66: {  	[sflag:s21] =	ssyncset.done $0x0  }
0x67: {  	s29 =	sadd.s32 $0xC880, s25;
	[sflag:s21] =	ssyncadd.s32 $0xFFFFE000  }
0x68: {  	[spmem:s2] =	stream.indirect.scatter.add.f32 [tilespmem:s19], [sflag:$0x3], $0x40, s29, s18, $0xb8;
	[tilespmem:$0x13000] =	vst v63  }
0x69: {  	_ =	swait.ge [sflag:s15], $0x2000  }
0x6a: {  	[sflag:s15] =	ssyncset.done $0x0  }
0x6b: {  	[sflag:s15] =	ssyncadd.s32 $0xFFFFE000  }
0x6c: {  	[tilespmem:s19], [sflag:$0x2] =	stream.indirect.gather [hbm4b:s4+s18], $0x40, s22, s18, $0xb8;
	[tilespmem:$0x13000] =	vst v63  }
0x6d: {  	_ =	swait.ge [sflag:s20], $0x2000  }
0x6e: {  	[sflag:s20] =	ssyncset.done $0x0  }
0x6f: {  	[sflag:s20] =	ssyncadd.s32 $0xFFFFE000  }
0x70: {  	[spmem:s2] =	stream.indirect.scatter.add.f32 [tilespmem:s14], [sflag:$0x3], $0x40, s23, s18, $0xb8;
	[tilespmem:$0x13000] =	vst v63  }
0x71: {  	_ =	swait.ge [sflag:s15], $0x2000  }
0x72: {  	[sflag:s15] =	ssyncset.done $0x0  }
0x73: {  	[sflag:s15] =	ssyncadd.s32 $0xFFFFE000  }
0x74: {  	_ =	swait.ge [sflag:s21], $0x2000  }
0x75: {  	[sflag:s21] =	ssyncset.done $0x0  }
0x76: {  	[sflag:s21] =	ssyncadd.s32 $0xFFFFE000  }
0x77: {  	[spmem:s2] =	stream.indirect.scatter.add.f32 [tilespmem:s19], [sflag:$0x3], $0x40, s24, s18, $0xb8;
	[tilespmem:$0x13000] =	vst v63  }
0x78: {  	_ =	swait.ge [sflag:s15], $0x2000  }
0x79: {  	s30 =	sshll.u32 s0, $0x6;
	s3 =	sadd.s32 $0x1, s3;
	[sflag:s15] =	ssyncset.done $0x0  }
0x7a: {  	s25 =	sor.u32 $0x1C03, s30;
	p0 =	sne.s32 s3, s13;
	[sflag:s15] =	ssyncadd.s32 $0xFFFFE000  }
.Ltmp2:
0x7b: {  	s31 =	sshrl.u32 s5, $0x3;
	[bflag:$0x0] =	sbarrier.arrive $0xFFFF;
	(pc) =	sbr.rel @p0 .LBB2_1-.Ltmp2, $4  }
0x7c: {  	[hbm:s12], [sflag:s25] =	dma.local [spmem:s31], $0x1400  }
0x7d: {  	_ =	swait.ge [sflag:s15], $0x1400  }
0x7e: {  	[sflag:s15] =	ssyncset.done $0x0  }
0x7f: {  	[sflag:s15] =	ssyncadd.s32 $0xFFFFEC00  }
0x80: {  	_ =	sfence.sel $0x180000  }
0x81: {  	[bflag:$0x0] =	sbarrier.arrive $0xFFFF  }
0x82: {  	p0 =	sne.s32 s0, $0x0;
	_ =	strace $0x9000004D  }
0x83: {  	s0 =	sadd.s32 @!p0 $0x100000, s1;
	[bflag:$0x2] =	sbarrier.arrive $0xFFFF  }
0x84: {  	[sflag:s0] =	ssyncadd.tile.s32 @!p0 $0x1;
	_ =	shalt  }
.Lfunc_end2:
_tile_overlayer_lowered:
.L_overlay_start_2:
0x85: {  	(tag) =	ssettag $0x2  }
0x86: {  	s0 =	rddreg [dreg:$0x0];
	s2 =	stileid.u32  }
0x87: {  	s1 =	rddreg [dreg:$0x1];
	p0 =	sne.s32 s2, $0x0  }
0x88: {  	s3 =	rddreg [dreg:$0x2];
	[bflag:$0x3] =	sbarrier.arrive $0xFFFF;
	s2 =	simm.s32 @!p0 $0x1C03  }
0x89: {  	[timem:s3], [sflag:s2] =	dma.local @!p0 [hbm:s0], s1  }
0x8a: {  	s0 =	simm.s32 @!p0 $0x3  }
0x8b: {  	_ =	swait.ge @!p0 [sflag:s0], s1  }
0x8c: {  	s1 =	ssub.s32 @!p0 $0x0, s1;
	[sflag:s0] =	ssyncset.done @!p0 $0x0  }
0x8d: {  	[sflag:s0] =	ssyncadd.s32 @!p0 s1  }
0x8e: {  	[bflag:$0x3] =	sbarrier.arrive $0xFFFF  }
0x8f: {  	_ =	shalt  }

// kernel: kernel.8.cloned.1.call-start
scs
__scs_entry_jumppad:
0x0: {  	(pc) =	sbr.rel $0x88, $3  }
0x1: {  	(tag) =	ssettag $0x0;
	lr =	simm.s32 $0x1  }
0x2: {  	[smem:$0x3F99] =	sst lr;
	_ =	strace $0xD0000000  }
0x3: {  	_ = 	snop  }
0x4: {  	_ = 	snop  }
0x5: {  	_ = 	snop  }
0x6: {  	_ = 	snop  }
0x7: {  	_ = 	snop  }
__scs_overlays_trampoline_lowered:
0x8: {  	[smem:$0x3FA8] =	sst s0  }
0x9: {  	[smem:$0x3FA9] =	sst s1  }
0xa: {  	[smem:$0x3FAA] =	sst s2  }
0xb: {  	[smem:$0x3FAB] =	sst s3  }
0xc: {  	[smem:$0x3FAC] =	sst s4  }
0xd: {  	[smem:$0x3FAD] =	sst s5  }
0xe: {  	[smem:$0x3FAE] =	sst s6  }
0xf: {  	[smem:$0x3FAF] =	sst s7  }
0x10: {  	[smem:$0x3FB0] =	sst s8  }
0x11: {  	[smem:$0x3FB1] =	sst s9;
	s0 =	simm.s32 @!p0 $0x0  }
0x12: {  	s1 =	sld [smem:$0x3F97];
	s0 =	simm.s32 @p0 $0x1  }
0x13: {  	[smem:$0x3FB2] =	sst s0;
	s0 =	simm.s32 @!p1 $0x0  }
0x14: {  	s2 =	sld [smem:$0x3F96];
	s0 =	simm.s32 @p1 $0x1  }
0x15: {  	[smem:$0x3FB3] =	sst s0;
	s0 =	simm.s32 @!p2 $0x0  }
0x16: {  	s3 =	sld [smem:$0x3FDB];
	s0 =	simm.s32 @p2 $0x1  }
0x17: {  	s4 =	simm.s32 $0x1BF5;
	[smem:$0x3FB5] =	sst s0  }
0x18: {  	s0 =	sld [smem:$0x3F98];
	_ =	swait.ge [sflag:s4], $0x0  }
0x19: {  	s7 =	sld [smem:$0x3F99]  }
0x1a: {  	s8 =	sadd.s32 $0xFFFFE003, lr  }
0x1b: {  	s9 =	sadd.s32 $0xFFFFFEF7, lr;
	s5 =	simm.s32 $0xFFFFFFFF;
	p2 =	slt.u32 s8, $0xFFFFF086  }
0x1c: {  	p1 =	slt.u32 s9, $0xF7A;
	s5 =	simm.s32 @!p2 $0x0  }
0x1d: {  	s5 =	simm.s32 @p1 $0x1;
	p0 =	seq.s32 s7, s2  }
0x1e: {  	s7 =	smul.u32 @!p0 $0xF7A, s2;
	p2 =	seq.s32 @!p0 s5, $0x0  }
0x1f: {  	s9 =	smul.u32 $0xF7A, s1;
	s8 =	simm.s32 @!p0 $0x1BF5;
	p2 =	por !p2, p0  }
0x20: {  	[sflag:s8] =	ssyncset.s32 @!p0 $0xFFFFF086;
	s6 =	sadd.s32 @!p0 s3, s7;
	s7 =	simm.s32 @!p0 $0x108  }
0x21: {  	s3 =	sadd.s32 s3, s9;
	s6 =	sadd.s32 @!p0 $0x88, s6;
	s7 =	simm.s32 @p2 $0x1082  }
0x22: {  	[simem:s7], [sflag:s8] =	dma.local @!p0 [hbm:s6], $0xF7A  }
0x23: {  	s9 =	sor.u32 $0xD0000000, s2;
	s6 =	simm.s32 $0x108;
	_ =	swait.ge @!p0 [sflag:s8], $0x0  }
0x24: {  	s3 =	sadd.s32 $0x88, s3;
	s6 =	simm.s32 @!p1 $0x1082;
	[sflag:s4] =	ssyncset.s32 $0xFFFFF086  }
0x25: {  	[simem:s6], [sflag:s4] =	dma.local [hbm:s3], $0xF7A  }
0x26: {  	[smem:$0x3F99] =	sst s1;
	(tag) =	ssettag s2;
	_ =	strace s9  }
0x27: {  	s1 =	sld [smem:$0x3FA9]  }
0x28: {  	s2 =	sld [smem:$0x3FAA]  }
0x29: {  	s4 =	sld [smem:$0x3FAC]  }
0x2a: {  	p0 =	seq.s32 s5, $0x0;
	s5 =	sld [smem:$0x3FAD]  }
0x2b: {  	s6 =	sld [smem:$0x3FAE]  }
0x2c: {  	s7 =	sld [smem:$0x3FAF]  }
0x2d: {  	s3 =	simm.s32 $0x108;
	s8 =	sld [smem:$0x3FB0]  }
0x2e: {  	s3 =	simm.s32 @!p0 $0x1082;
	s9 =	sld [smem:$0x3FB1]  }
0x2f: {  	lr =	sadd.s32 s0, s3;
	s0 =	sld [smem:$0x3FA8]  }
0x30: {  	s3 =	sld [smem:$0x3FAB]  }
0x31: {  	[smem:$0x3FB4] =	sst s10  }
0x32: {  	s10 =	sld [smem:$0x3FB2];
	_ =	sdelay $0x3  }
0x33: {  	p0 =	seq.s32 s10, $0x1;
	s10 =	sld [smem:$0x3FB4];
	_ =	sdelay $0x3  }
0x34: {  	[smem:$0x3FB4] =	sst s10  }
0x35: {  	s10 =	sld [smem:$0x3FB3];
	_ =	sdelay $0x3  }
0x36: {  	p1 =	seq.s32 s10, $0x1;
	s10 =	sld [smem:$0x3FB4];
	_ =	sdelay $0x3  }
0x37: {  	[smem:$0x3FB4] =	sst s10  }
0x38: {  	s10 =	sld [smem:$0x3FB5]  }
0x39: {  	_ = 	snop;
	(pc) =	sbr.ind lr, $3  }
0x3a: {  	_ = 	snop  }
0x3b: {  	_ = 	snop  }
0x3c: {  	p2 =	seq.s32 s10, $0x1;
	s10 =	sld [smem:$0x3FB4]  }
0x3d: {  	_ =	shalt  }
0x3e: {  	_ =	shalt  }
0x3f: {  	_ =	shalt  }
0x40: {  	_ =	shalt  }
0x41: {  	_ =	shalt  }
0x42: {  	_ =	shalt  }
0x43: {  	_ =	shalt  }
0x44: {  	_ =	shalt  }
0x45: {  	_ =	shalt  }
0x46: {  	_ =	shalt  }
0x47: {  	_ =	shalt  }
0x48: {  	_ =	shalt  }
0x49: {  	_ =	shalt  }
0x4a: {  	_ =	shalt  }
0x4b: {  	_ =	shalt  }
0x4c: {  	_ =	shalt  }
0x4d: {  	_ =	shalt  }
0x4e: {  	_ =	shalt  }
0x4f: {  	_ =	shalt  }
0x50: {  	_ =	shalt  }
0x51: {  	_ =	shalt  }
0x52: {  	_ =	shalt  }
0x53: {  	_ =	shalt  }
0x54: {  	_ =	shalt  }
0x55: {  	_ =	shalt  }
0x56: {  	_ =	shalt  }
0x57: {  	_ =	shalt  }
0x58: {  	_ =	shalt  }
0x59: {  	_ =	shalt  }
0x5a: {  	_ =	shalt  }
0x5b: {  	_ =	shalt  }
0x5c: {  	_ =	shalt  }
0x5d: {  	_ =	shalt  }
0x5e: {  	_ =	shalt  }
0x5f: {  	_ =	shalt  }
0x60: {  	_ =	shalt  }
0x61: {  	_ =	shalt  }
0x62: {  	_ =	shalt  }
0x63: {  	_ =	shalt  }
0x64: {  	_ =	shalt  }
0x65: {  	_ =	shalt  }
0x66: {  	_ =	shalt  }
0x67: {  	_ =	shalt  }
0x68: {  	_ =	shalt  }
0x69: {  	_ =	shalt  }
0x6a: {  	_ =	shalt  }
0x6b: {  	_ =	shalt  }
0x6c: {  	_ =	shalt  }
0x6d: {  	_ =	shalt  }
0x6e: {  	_ =	shalt  }
0x6f: {  	_ =	shalt  }
0x70: {  	_ =	shalt  }
0x71: {  	_ =	shalt  }
0x72: {  	_ =	shalt  }
0x73: {  	_ =	shalt  }
0x74: {  	_ =	shalt  }
0x75: {  	_ =	shalt  }
0x76: {  	_ =	shalt  }
0x77: {  	_ =	shalt  }
0x78: {  	_ =	shalt  }
0x79: {  	_ =	shalt  }
0x7a: {  	_ =	shalt  }
0x7b: {  	_ =	shalt  }
0x7c: {  	_ =	shalt  }
0x7d: {  	_ =	shalt  }
0x7e: {  	_ =	shalt  }
0x7f: {  	_ =	shalt  }
0x80: {  	_ =	shalt  }
0x81: {  	_ =	shalt  }
0x82: {  	_ =	shalt  }
0x83: {  	_ =	shalt  }
0x84: {  	_ =	shalt  }
0x85: {  	_ =	shalt  }
0x86: {  	_ =	shalt  }
0x87: {  	_ =	shalt  }
.Lfunc_end0:
.L_simem_size_0:
called_computation_lowered:
.L_overlay_start_0:
0x88: {  	s2 =	sld [smem:$0x3FD9]  }
0x89: {  	s3 =	sld [smem:$0x3FFE];
	_ =	sdelay $0x1  }
0x8a: {  	s1 =	srdreg.scid  }
0x8b: {  	s0 =	sand.u32 $0x1, s1  }
0x8c: {  	s17 =	sshll.u32 s0, $0xA;
	s2 =	sadd.s32 s3, s2  }
0x8d: {  	s2 =	sadd.s32 s2, s17  }
0x8e: {  	[smem:$0x3FC0] =	sst s2  }
0x8f: {  	_ = 	snop  }
0x90: {  	s2 =	sld [smem:$0x3FD0];
	(tm) =	ssettm $0x1  }
0x91: {  	s18 =	sld [smem:$0x3FFB];
	_ =	sdelay $0x3  }
0x92: {  	_ =	strace s18  }
0x93: {  	s3 =	sld [smem:$0x3FFC];
	_ =	sdelay $0x3  }
0x94: {  	_ =	strace s3  }
0x95: {  	s3 =	sld [smem:$0x3FFD];
	_ =	sdelay $0x3  }
0x96: {  	_ =	strace s3  }
0x97: {  	_ =	strace $0x8FFFFFFF  }
0x98: {  	s19 =	sld [smem:$0x3FDB];
	_ =	sdelay $0x1  }
0x99: {  	s4 =	simm.s32 $_scs_section_size  }
0x9a: {  	s5 =	simm.s32 $_size__tile_overlayer_lowered;
	s6 =	simm.s32 $_tile_overlayer_lowered  }
0x9b: {  	s22 =	simm.s32 $0x1BFF;
	s21 =	sshll.u32 s6, $0x1;
	s3 =	sadd.s32 s4, s19  }
0x9c: {  	s7 =	simm.s32 $0x0;
	s20 =	sshll.u32 s5, $0x1;
	s5 =	sadd.s32 s21, s3  }
0x9d: {  	[timem:s7], [sflag:s22] =	dma.local [hbm:s5], s20  }
0x9e: {  	_ =	swait.ge [sflag:s22], s20  }
0x9f: {  	s4 =	ssub.s32 $0x0, s20;
	[sflag:s22] =	ssyncset.done $0x0  }
0xa0: {  	[sflag:s22] =	ssyncadd.s32 s4;
	_ =	sdelay $0x1  }
0xa1: {  	s23 =	simm.s32 $0x1B8B  }
0xa2: {  	_ =	swait.ge [sflag:s23], $0x1  }
0xa3: {  	[sflag:s23] =	ssyncset.done $0x0  }
0xa4: {  	s25 =	simm.s32 $0x1B8E;
	s24 =	sld [smem:$0x3FFE];
	[sflag:s23] =	ssyncadd.s32 $0xFFFFFFFF  }
0xa5: {  	s26 =	simm.s32 $execute0_lowered;
	[smem:$0x3FD2] =	sst s25  }
0xa6: {  	s5 =	sshll.u32 s26, $0x1;
	_ =	strace $0x80000046;
	[dreg:$0x1] =	wrdreg $0xFFFFFFFF  }
0xa7: {  	s28 =	simm.s32 $_size_execute0_lowered;
	s3 =	sadd.s32 s3, s5;
	[dreg:$0x0] =	wrdreg $0x0  }
0xa8: {  	s5 =	sshll.u32 s28, $0x1;
	[dreg:$0x2] =	wrdreg s3  }
0xa9: {  	[dreg:$0x3] =	wrdreg s5  }
0xaa: {  	[dreg:$0x4] =	wrdreg $0xC0  }
0xab: {  	_ =	task [dreg:s7], $0x5FFFF  }
0xac: {  	[dreg:$0x1] =	wrdreg $0xFFFFFFFF  }
0xad: {  	[dreg:$0x0] =	wrdreg $0x60  }
0xae: {  	[dreg:$0x2] =	wrdreg s24  }
0xaf: {  	[dreg:$0x3] =	wrdreg s2  }
0xb0: {  	[dreg:$0x4] =	wrdreg $0x0  }
0xb1: {  	[dreg:$0x5] =	wrdreg $0x9  }
0xb2: {  	_ =	task.clear_ibuf [dreg:s7], $0x6FFFF;
	_ =	strace $0x90000046  }
0xb3: {  	s29 =	simm.s32 $0x9;
	_ =	strace $0x80000048  }
0xb4: {  	_ =	swait.ge [sflag:s29], $0x1  }
0xb5: {  	[sflag:s29] =	ssyncadd.s32 $0xFFFFFFFF  }
0xb6: {  	_ =	strace $0x90000048  }
0xb7: {  	_ =	sfence  }
0xb8: {  	s30 =	sld [smem:$0x0];
	_ =	sdelay $0x2  }
0xb9: {  	s31 =	sshll.u32 s1, $0xD;
	s1 =	sshrl.u32 s1, $0x2  }
0xba: {  	s3 =	sand.u32 $0x4000, s31;
	s1 =	sadd.s32 s1, s30  }
0xbb: {  	s0 =	sor.u32 s3, s0;
	s1 =	sshll.u32 s1, $0x11  }
0xbc: {  	s0 =	sor.u32 s1, s0  }
0xbd: {  	s0 =	sadd.s32 $0x8F2B, s0  }
0xbe: {  	[sflag:s0] =	ssyncadd.remote.s32 $0x1  }
0xbf: {  	_ =	sfence.sel $0xFFFF  }
0xc0: {  	[dreg:$0x0] =	wrdreg $0xFFFFFFFF;
	(pc) =	sbr.abs _section_cstart, $3  }
0xc1: {  	[dreg:$0x1] =	wrdreg $0xFFFFFFFF  }
0xc2: {  	_ =	task.clear_ibuf [dreg:s7], $0x2FFFF;
	_ =	strace $0x9FFFFFFF  }
0xc3: {  	(tm) =	ssettm $0x7FFFFFFF  }
tec
execute0_lowered:
.L_overlay_start_1:
0x0: {  	(tag) =	ssettag $0x1  }
0x1: {  	s4 =	rddreg [dreg:$0x0]  }
0x2: {  	s6 =	rddreg [dreg:$0x1]  }
0x3: {  	s2 =	rddreg [dreg:$0x2]  }
0x4: {  	s0 =	srdreg.scid;
	s1 =	rddreg [dreg:$0x3];
	s3 =	simm.s32 $0x0  }
0x5: {  	s11 =	simm.s32 $0x4E20;
	s12 =	simm.s32 $0x5100;
	s5 =	sand.u32 $0x1, s0  }
0x6: {  	s15 =	simm.s32 $0x20;
	s0 =	stileid.u32;
	s7 =	smul.u32 $0x4E200, s5  }
0x7: {  	s16 =	simm.s32 $0x10;
	[smem:$0x7FF] =	sst s3;
	s8 =	smul.u32 $0x4E20, s0  }
0x8: {  	s17 =	simm.s32 $0x0;
	_ =	strace $0x80000047;
	s26 =	smul.u32 $0x500, s0  }
0x9: {  	s9 =	ssub.s32 $0x2, s5;
	s10 =	smul.u32 $0xA00, s0;
	s13 =	sshll.u32 s0, $0x6  }
0xa: {  	s5 =	sshll.u32 s5, $0x7;
	s28 =	sshrl.u32 s9, $0x1;
	s13 =	sor.u32 $0x1C01, s13  }
0xb: {  	s7 =	sadd.s32 s8, s7;
	s5 =	sor.u32 s5, s26;
	s29 =	ssub.s32 s9, s28  }
0xc: {  	s30 =	sshrl.u32 s10, $0x2;
	s8 =	simm.s32 $0x9F80;
	s9 =	simm.s32 $0x1  }
0xd: {  	s10 =	simm.s32 $0x280;
	s7 =	sshrl.u32 s7, $0x3;
	s31 =	sshrl.u32 s5, $0x3  }
0xe: {  	s7 =	sadd.s32 s7, s4;
	s4 =	sadd.s32 s30, s2;
	s6 =	sadd.s32 s6, s31  }
0xf: {  	v0 =	vimm.f32 $0.0e+00;
	v1 =	vimm.f32 $1.000000000e+00;
	s5 =	sadd.s32 $0x2200, s7;
	s7 =	smax.u32 s29, $0x1;
	s14 =	sshrl.u32 s4, $0x3  }
.LBB2_1:
0x10: {  	[tilespmem:$0x9F80] =	vst v0  }
0x11: {  	[tilespmem:$0x9F90] =	vst v0  }
0x12: {  	[tilespmem:$0x9FA0] =	vst v0  }
0x13: {  	[tilespmem:$0x9FB0] =	vst v0  }
0x14: {  	[tilespmem:$0x9FC0] =	vst v0  }
0x15: {  	[tilespmem:$0x9FD0] =	vst v0  }
0x16: {  	[tilespmem:$0x9FE0] =	vst v0  }
0x17: {  	[tilespmem:$0x9FF0] =	vst v0  }
0x18: {  	[tilespmem:$0xA000] =	vst v0  }
0x19: {  	[tilespmem:$0xA010] =	vst v0  }
0x1a: {  	[tilespmem:$0xA020] =	vst v0  }
0x1b: {  	[tilespmem:$0xA030] =	vst v0  }
0x1c: {  	[tilespmem:$0xA040] =	vst v0  }
0x1d: {  	[tilespmem:$0xA050] =	vst v0  }
0x1e: {  	[tilespmem:$0xA060] =	vst v0  }
0x1f: {  	[tilespmem:$0xA070] =	vst v0  }
0x20: {  	[tilespmem:$0xA080] =	vst v0  }
0x21: {  	[tilespmem:$0xA090] =	vst v0  }
0x22: {  	[tilespmem:$0xA0A0] =	vst v0  }
0x23: {  	[tilespmem:$0xA0B0] =	vst v0  }
0x24: {  	[tilespmem:$0xA0C0] =	vst v0  }
0x25: {  	[tilespmem:$0xA0D0] =	vst v0  }
0x26: {  	[tilespmem:$0xA0E0] =	vst v0  }
0x27: {  	[tilespmem:$0xA0F0] =	vst v0  }
0x28: {  	[tilespmem:$0xA100] =	vst v0  }
0x29: {  	[tilespmem:$0xA110] =	vst v0  }
0x2a: {  	[tilespmem:$0xA120] =	vst v0  }
0x2b: {  	[tilespmem:$0xA130] =	vst v0  }
0x2c: {  	[tilespmem:$0xA140] =	vst v0  }
0x2d: {  	[tilespmem:$0xA150] =	vst v0  }
0x2e: {  	[tilespmem:$0xA160] =	vst v0  }
0x2f: {  	[tilespmem:$0xA170] =	vst v0  }
0x30: {  	[tilespmem:$0xA180] =	vst v0  }
0x31: {  	[tilespmem:$0xA190] =	vst v0  }
0x32: {  	[tilespmem:$0xA1A0] =	vst v0  }
0x33: {  	[tilespmem:$0xA1B0] =	vst v0  }
0x34: {  	[tilespmem:$0xA1C0] =	vst v0  }
0x35: {  	[tilespmem:$0xA1D0] =	vst v0  }
0x36: {  	[tilespmem:$0xA1E0] =	vst v0  }
0x37: {  	[tilespmem:$0xA1F0] =	vst v0  }
0x38: {  	[spmem:s4] =	stream.linear.scatter [tilespmem:s8], [sflag:$0x1], $0x280, $0x38;
	[tilespmem:$0xA200] =	vst v63  }
0x39: {  	_ =	swait.ge [sflag:s9], $0x280  }
0x3a: {  	[sflag:s9] =	ssyncset.done $0x0  }
0x3b: {  	s18 =	simm.s32 $0x5150;
	[sflag:s9] =	ssyncadd.s32 $0xFFFFFD80  }
0x3c: {  	[tilespmem:s18+$0xFFFFFFC0] =	vst v1  }
0x3d: {  	[tilespmem:s18+$0xFFFFFFD0] =	vst v1  }
0x3e: {  	[tilespmem:s18+$0xFFFFFFE0] =	vst v1  }
0x3f: {  	[tilespmem:s18+$0xFFFFFFF0] =	vst v1  }
0x40: {  	[tilespmem:s18+$0x0] =	vst v1  }
0x41: {  	[tilespmem:s18+$0x10] =	vst v1  }
0x42: {  	[tilespmem:s18+$0x20] =	vst v1  }
0x43: {  	s20 =	sand.u32 $0x7FE0, s3;
	s19 =	simm.s32 $0xA0;
	[tilespmem:s18+$0xFFFFFFB0] =	vst v1  }
.LBB2_2:
0x44: {  	p0 =	sne.s32 s19, $0x4D80;
	[tilespmem:s20+$0x5180] =	vst v1  }
0x45: {  	[tilespmem:s18+$0x40] =	vst v1;
	s18 =	sadd.s32 $0xA0, s18  }
0x46: {  	[tilespmem:s18+$0xFFFFFFC0] =	vst v1  }
0x47: {  	[tilespmem:s18+$0xFFFFFFD0] =	vst v1  }
0x48: {  	[tilespmem:s18+$0xFFFFFFE0] =	vst v1  }
.Ltmp0:
0x49: {  	[tilespmem:s18+$0xFFFFFFF0] =	vst v1;
	(pc) =	sbr.rel @p0 .LBB2_2-.Ltmp0, $4  }
0x4a: {  	[tilespmem:s18+$0x0] =	vst v1  }
0x4b: {  	[tilespmem:s18+$0x10] =	vst v1  }
0x4c: {  	[tilespmem:s18+$0x20] =	vst v1  }
0x4d: {  	s20 =	sand.u32 $0x7FE0, s19;
	s19 =	sadd.s32 $0xA0, s19;
	[tilespmem:s18+$0xFFFFFFB0] =	vst v1  }
0x4e: {  	[tilespmem:s20+$0x5180] =	vst v1  }
0x4f: {  	[tilespmem:s18+$0x40] =	vst v1  }
0x50: {  	[bflag:$0x0] =	sbarrier.arrive $0xFFFF  }
0x51: {  	[tilespmem:s10], [sflag:$0x1] =	stream.linear.gather [hbm4b:s5+s3], $0x4E20, $0x38;
	[tilespmem:$0xA200] =	vst v63  }
0x52: {  	_ =	swait.ge [sflag:s9], $0x4E20  }
0x53: {  	[sflag:s9] =	ssyncset.done $0x0  }
0x54: {  	[sflag:s9] =	ssyncadd.s32 $0xFFFFB1E0  }
0x55: {  	[spmem:s2] =	stream.indirect.scatter.add.f32 [tilespmem:s12], [sflag:$0x1], $0x1, s10, s11, $0xb8;
	[tilespmem:$0xA200] =	vst v63  }
0x56: {  	_ =	swait.ge [sflag:s9], $0x4E20  }
0x57: {  	s17 =	sadd.s32 $0x1, s17;
	[sflag:s9] =	ssyncset.done $0x0  }
0x58: {  	p0 =	sne.s32 s17, s7;
	[sflag:s9] =	ssyncadd.s32 $0xFFFFB1E0  }
.Ltmp1:
0x59: {  	[bflag:$0x0] =	sbarrier.arrive $0xFFFF;
	(pc) =	sbr.rel @p0 .LBB2_1-.Ltmp1, $4  }
0x5a: {  	[hbm:s6@s15], [sflag:s13] =	dma.strided [spmem:s14@s16], $0x50, s9, $0x10   }
0x5b: {  	_ =	swait.ge [sflag:s9], $0x50  }
0x5c: {  	[sflag:s9] =	ssyncset.done $0x0  }
0x5d: {  	[sflag:s9] =	ssyncadd.s32 $0xFFFFFFB0  }
0x5e: {  	_ =	sfence.sel $0x180000  }
0x5f: {  	[bflag:$0x0] =	sbarrier.arrive $0xFFFF  }
0x60: {  	p0 =	sne.s32 s0, $0x0;
	_ =	strace $0x90000047  }
0x61: {  	s0 =	sadd.s32 @!p0 $0x100000, s1;
	[bflag:$0x2] =	sbarrier.arrive $0xFFFF  }
0x62: {  	[sflag:s0] =	ssyncadd.tile.s32 @!p0 $0x1;
	_ =	shalt  }
.Lfunc_end2:
_tile_overlayer_lowered:
.L_overlay_start_2:
0x63: {  	(tag) =	ssettag $0x2  }
0x64: {  	s0 =	rddreg [dreg:$0x0];
	s2 =	stileid.u32  }
0x65: {  	s1 =	rddreg [dreg:$0x1];
	p0 =	sne.s32 s2, $0x0  }
0x66: {  	s3 =	rddreg [dreg:$0x2];
	[bflag:$0x3] =	sbarrier.arrive $0xFFFF;
	s2 =	simm.s32 @!p0 $0x1C01  }
0x67: {  	[timem:s3], [sflag:s2] =	dma.local @!p0 [hbm:s0], s1  }
0x68: {  	s0 =	simm.s32 @!p0 $0x1  }
0x69: {  	_ =	swait.ge @!p0 [sflag:s0], s1  }
0x6a: {  	s1 =	ssub.s32 @!p0 $0x0, s1;
	[sflag:s0] =	ssyncset.done @!p0 $0x0  }
0x6b: {  	[sflag:s0] =	ssyncadd.s32 @!p0 s1  }
0x6c: {  	[bflag:$0x3] =	sbarrier.arrive $0xFFFF  }
0x6d: {  	_ =	shalt  }

</sc_bundles>
